<compile_context>
chip_gen: v7x
topology: tpu7x:2x2x1
jax: 0.10.2.dev20260603
libtpu: 0.0.44.dev20260713+nightly
codegen_flags: <defaults>
</compile_context>

<pallas_src>
import jax
import jax.numpy as jnp
from jax import lax
from jax.experimental import pallas as pl
from jax.experimental.pallas import tpu as pltpu
from jax.experimental.pallas import tpu_sc as plsc

B = 16384
D = 128
NW = 32
PER_W = B // NW
CHUNK = 128
NCHUNK = PER_W // CHUNK
L = 16
UNROLL = 16


def _body(w_hbm, h_hbm, uidx_hbm, vidx_hbm, out_hbm,
          uidx_v, vidx_v, u0, v0, u1, v1, out_v,
          su0, sv0, su1, sv1):
    wid = lax.axis_index("s") * 2 + lax.axis_index("c")
    base = wid * PER_W

    pltpu.sync_copy(uidx_hbm.at[wid], uidx_v)
    pltpu.sync_copy(vidx_hbm.at[wid], vidx_v)

    bufs = [(u0, v0, su0, sv0), (u1, v1, su1, sv1)]

    def start(c):
        ub, vb, su, sv = bufs[c % 2]
        cu = pltpu.async_copy(w_hbm.at[uidx_v.at[c]], ub, su)
        cv = pltpu.async_copy(h_hbm.at[vidx_v.at[c]], vb, sv)
        return cu, cv

    lane = lax.iota(jnp.int32, L)
    zero = jnp.zeros((L,), jnp.float32)
    pending = start(0)

    for c in range(NCHUNK):
        u_rows, v_rows = bufs[c % 2][0], bufs[c % 2][1]
        cu, cv = pending
        if c + 1 < NCHUNK:
            pending = start(c + 1)
        cu.wait()
        cv.wait()

        def group_body(g, carry, u_rows=u_rows, v_rows=v_rows, c=c):
            rows = lane + g * L

            def jblock(i, accs):
                a0, a1, a2, a3 = accs
                colbase = lane + i * UNROLL
                for jj in range(UNROLL):
                    cols = (colbase + jj) & (D - 1)
                    p = (plsc.load_gather(u_rows, [rows, cols])
                         * plsc.load_gather(v_rows, [rows, cols]))
                    if jj % 4 == 0:
                        a0 = a0 + p
                    elif jj % 4 == 1:
                        a1 = a1 + p
                    elif jj % 4 == 2:
                        a2 = a2 + p
                    else:
                        a3 = a3 + p
                return a0, a1, a2, a3

            a0, a1, a2, a3 = lax.fori_loop(
                0, D // UNROLL, jblock, (zero, zero, zero, zero))
            out_v[pl.ds(c * CHUNK + g * L, L)] = (a0 + a1) + (a2 + a3)
            return carry

        lax.fori_loop(0, CHUNK // L, group_body, 0)

    def sig_body(g, carry):
        z = out_v[pl.ds(g * L, L)]
        out_v[pl.ds(g * L, L)] = 1.0 / (1.0 + jnp.exp(-z))
        return carry

    lax.fori_loop(0, PER_W // L, sig_body, 0)

    pltpu.sync_copy(out_v, out_hbm.at[pl.ds(base, PER_W)])


@jax.jit
def _run(W, H, uidx, vidx):
    mesh = plsc.VectorSubcoreMesh(core_axis_name="c", subcore_axis_name="s")
    kfn = pl.kernel(
        _body,
        mesh=mesh,
        out_type=jax.ShapeDtypeStruct((B,), jnp.float32),
        scratch_types=[
            pltpu.VMEM((NCHUNK, CHUNK), jnp.int32),
            pltpu.VMEM((NCHUNK, CHUNK), jnp.int32),
            pltpu.VMEM((CHUNK, D), jnp.float32),
            pltpu.VMEM((CHUNK, D), jnp.float32),
            pltpu.VMEM((CHUNK, D), jnp.float32),
            pltpu.VMEM((CHUNK, D), jnp.float32),
            pltpu.VMEM((PER_W,), jnp.float32),
            pltpu.SemaphoreType.DMA,
            pltpu.SemaphoreType.DMA,
            pltpu.SemaphoreType.DMA,
            pltpu.SemaphoreType.DMA,
        ],
        compiler_params=pltpu.CompilerParams(needs_layout_passes=False),
    )
    return kfn(W, H, uidx, vidx)


def kernel(x, W, H):
    xi = x.astype(jnp.int32)
    uidx = xi[:, 0].reshape(NW, NCHUNK, CHUNK)
    vidx = xi[:, 1].reshape(NW, NCHUNK, CHUNK)
    return _run(W, H, uidx, vidx)

# --- scband reference (transcript-rebuilt; emitter-appended) ---
"""Pipeline reference for scband-mf-dr-bias-30253749633245 (READ-ONLY COPY).

The authoritative reference and input builder live on the scoring server;
editing this copy changes nothing except your own understanding.
"""

import jax, jax.numpy as jnp
import numpy as np

NUM_USERS = 100000
NUM_ITEMS = 100000
EMB_K = 128
BATCH = 16384

def setup_inputs(seed: int = 0) -> dict:
    key = jax.random.key(seed)
    k1, k2, k3 = jax.random.split(key, 3)
    x = jax.random.randint(k1, (BATCH, 2), 0, min(NUM_USERS, NUM_ITEMS))
    W = jax.random.normal(k2, (NUM_USERS, EMB_K), dtype=jnp.float32) * 0.05
    H = jax.random.normal(k3, (NUM_ITEMS, EMB_K), dtype=jnp.float32) * 0.05
    return {"x": x, "W": W, "H": H}

def reference(x, W, H):
    # MF_DR_BIAS.predict -> prediction_model.forward(x)
    user_idx = x[:, 0]
    item_idx = x[:, 1]
    U_emb = jnp.take(W, user_idx, axis=0)
    V_emb = jnp.take(H, item_idx, axis=0)
    out = jax.nn.sigmoid(jnp.sum(U_emb * V_emb, axis=1))
    return out

if __name__ == "__main__":
    import jax
    _d = setup_inputs()
    print(jax.jit(kernel)(*tuple(_d.values())))

</pallas_src>

<mosaic_0001>
#map = affine_map<(d0, d1) -> (0, 0)>
#map1 = affine_map<(d0, d1) -> (0, 0, 0)>
#map2 = affine_map<(d0, d1) -> (0)>
module attributes {stable_mosaic.version = 14 : i64} {
  func.func @_body(%arg0: i32, %arg1: i32, %arg2: memref<100000x128xf32, #tpu.memory_space<hbm>>, %arg3: memref<100000x128xf32, #tpu.memory_space<hbm>>, %arg4: memref<32x4x128xi32, #tpu.memory_space<hbm>>, %arg5: memref<32x4x128xi32, #tpu.memory_space<hbm>>, %arg6: memref<16384xf32, #tpu.memory_space<hbm>>, %arg7: memref<4x128xi32, #tpu.memory_space<vmem>>, %arg8: memref<4x128xi32, #tpu.memory_space<vmem>>, %arg9: memref<128x128xf32, #tpu.memory_space<vmem>>, %arg10: memref<128x128xf32, #tpu.memory_space<vmem>>, %arg11: memref<128x128xf32, #tpu.memory_space<vmem>>, %arg12: memref<128x128xf32, #tpu.memory_space<vmem>>, %arg13: memref<512xf32, #tpu.memory_space<vmem>>, %arg14: memref<!tpu.dma_semaphore, #tpu.memory_space<semaphore_mem>>, %arg15: memref<!tpu.dma_semaphore, #tpu.memory_space<semaphore_mem>>, %arg16: memref<!tpu.dma_semaphore, #tpu.memory_space<semaphore_mem>>, %arg17: memref<!tpu.dma_semaphore, #tpu.memory_space<semaphore_mem>>) attributes {dimension_semantics = [#tpu.dimension_semantics<core_parallel>, #tpu.dimension_semantics<subcore_parallel>], iteration_bounds = array<i64: 2, 16>, scalar_prefetch = 0 : i64, scratch_operands = 11 : i64, tpu.core_type = #tpu.core_type<sc_vector_subcore>, window_params = [{transform_indices = #map}, {transform_indices = #map}, {transform_indices = #map1}, {transform_indices = #map1}, {transform_indices = #map2}]} {
    %mul3A = arith.constant 2 : i32
    %mul3A_0 = arith.muli %arg1, %mul3A : i32
    %add3A = arith.addi %mul3A_0, %arg0 : i32
    %mul3A_1 = arith.constant 512 : i32
    %mul3A_2 = arith.muli %add3A, %mul3A_1 : i32
    "tpu.region"() ({
      %run_scoped3A = tpu.sem_alloc : memref<!tpu.dma_semaphore, #tpu.memory_space<semaphore_mem>>
      %dma_start3A_143 = arith.constant 0 : i32
      %dma_start3A_144 = arith.constant 0 : i32
      %dma_start3A_145 = tpu.memref_slice %arg4[%add3A, %dma_start3A_143, %dma_start3A_144] : memref<32x4x128xi32, #tpu.memory_space<hbm>> -> memref<1x4x128xi32, #tpu.memory_space<hbm>>
      %dma_start3A_146 = tpu.memref_squeeze %dma_start3A_145 : memref<1x4x128xi32, #tpu.memory_space<hbm>> -> memref<4x128xi32, #tpu.memory_space<hbm>>
      %dma_start3A_147 = arith.constant 0 : i32
      %dma_start3A_148 = arith.constant 0 : i32
      %dma_start3A_149 = tpu.memref_slice %arg4[%add3A, %dma_start3A_147, %dma_start3A_148] : memref<32x4x128xi32, #tpu.memory_space<hbm>> -> memref<1x4x128xi32, #tpu.memory_space<hbm>>
      %dma_start3A_150 = tpu.memref_squeeze %dma_start3A_149 : memref<1x4x128xi32, #tpu.memory_space<hbm>> -> memref<4x128xi32, #tpu.memory_space<hbm>>
      tpu.enqueue_dma source(%dma_start3A_150 : memref<4x128xi32, #tpu.memory_space<hbm>>) target(%arg7 : memref<4x128xi32, #tpu.memory_space<vmem>>) target_semaphore(%run_scoped3A : memref<!tpu.dma_semaphore, #tpu.memory_space<semaphore_mem>>)
      %dma_wait3A_151 = arith.constant 0 : i32
      %dma_wait3A_152 = arith.constant 0 : i32
      %dma_wait3A_153 = tpu.memref_slice %arg4[%add3A, %dma_wait3A_151, %dma_wait3A_152] : memref<32x4x128xi32, #tpu.memory_space<hbm>> -> memref<1x4x128xi32, #tpu.memory_space<hbm>>
      %dma_wait3A_154 = tpu.memref_squeeze %dma_wait3A_153 : memref<1x4x128xi32, #tpu.memory_space<hbm>> -> memref<4x128xi32, #tpu.memory_space<hbm>>
      %dma_wait3A_155 = arith.constant 0 : i32
      %dma_wait3A_156 = arith.constant 0 : i32
      %dma_wait3A_157 = tpu.memref_slice %arg4[%add3A, %dma_wait3A_155, %dma_wait3A_156] : memref<32x4x128xi32, #tpu.memory_space<hbm>> -> memref<1x4x128xi32, #tpu.memory_space<hbm>>
      %dma_wait3A_158 = tpu.memref_squeeze %dma_wait3A_157 : memref<1x4x128xi32, #tpu.memory_space<hbm>> -> memref<4x128xi32, #tpu.memory_space<hbm>>
      tpu.wait_dma2 semaphore(%run_scoped3A : memref<!tpu.dma_semaphore, #tpu.memory_space<semaphore_mem>>) src(%dma_wait3A_158 : memref<4x128xi32, #tpu.memory_space<hbm>>) dst(%arg7 : memref<4x128xi32, #tpu.memory_space<vmem>>)
      tpu.yield
    }) : () -> ()
    "tpu.region"() ({
      %run_scoped3A = tpu.sem_alloc : memref<!tpu.dma_semaphore, #tpu.memory_space<semaphore_mem>>
      %dma_start3A_143 = arith.constant 0 : i32
      %dma_start3A_144 = arith.constant 0 : i32
      %dma_start3A_145 = tpu.memref_slice %arg5[%add3A, %dma_start3A_143, %dma_start3A_144] : memref<32x4x128xi32, #tpu.memory_space<hbm>> -> memref<1x4x128xi32, #tpu.memory_space<hbm>>
      %dma_start3A_146 = tpu.memref_squeeze %dma_start3A_145 : memref<1x4x128xi32, #tpu.memory_space<hbm>> -> memref<4x128xi32, #tpu.memory_space<hbm>>
      %dma_start3A_147 = arith.constant 0 : i32
      %dma_start3A_148 = arith.constant 0 : i32
      %dma_start3A_149 = tpu.memref_slice %arg5[%add3A, %dma_start3A_147, %dma_start3A_148] : memref<32x4x128xi32, #tpu.memory_space<hbm>> -> memref<1x4x128xi32, #tpu.memory_space<hbm>>
      %dma_start3A_150 = tpu.memref_squeeze %dma_start3A_149 : memref<1x4x128xi32, #tpu.memory_space<hbm>> -> memref<4x128xi32, #tpu.memory_space<hbm>>
      tpu.enqueue_dma source(%dma_start3A_150 : memref<4x128xi32, #tpu.memory_space<hbm>>) target(%arg8 : memref<4x128xi32, #tpu.memory_space<vmem>>) target_semaphore(%run_scoped3A : memref<!tpu.dma_semaphore, #tpu.memory_space<semaphore_mem>>)
      %dma_wait3A_151 = arith.constant 0 : i32
      %dma_wait3A_152 = arith.constant 0 : i32
      %dma_wait3A_153 = tpu.memref_slice %arg5[%add3A, %dma_wait3A_151, %dma_wait3A_152] : memref<32x4x128xi32, #tpu.memory_space<hbm>> -> memref<1x4x128xi32, #tpu.memory_space<hbm>>
      %dma_wait3A_154 = tpu.memref_squeeze %dma_wait3A_153 : memref<1x4x128xi32, #tpu.memory_space<hbm>> -> memref<4x128xi32, #tpu.memory_space<hbm>>
      %dma_wait3A_155 = arith.constant 0 : i32
      %dma_wait3A_156 = arith.constant 0 : i32
      %dma_wait3A_157 = tpu.memref_slice %arg5[%add3A, %dma_wait3A_155, %dma_wait3A_156] : memref<32x4x128xi32, #tpu.memory_space<hbm>> -> memref<1x4x128xi32, #tpu.memory_space<hbm>>
      %dma_wait3A_158 = tpu.memref_squeeze %dma_wait3A_157 : memref<1x4x128xi32, #tpu.memory_space<hbm>> -> memref<4x128xi32, #tpu.memory_space<hbm>>
      tpu.wait_dma2 semaphore(%run_scoped3A : memref<!tpu.dma_semaphore, #tpu.memory_space<semaphore_mem>>) src(%dma_wait3A_158 : memref<4x128xi32, #tpu.memory_space<hbm>>) dst(%arg8 : memref<4x128xi32, #tpu.memory_space<vmem>>)
      tpu.yield
    }) : () -> ()
    %iota3A = tpu.iota {dimensions = array<i32: 0>} : vector<16xi32>
    %broadcast_in_dim3A = arith.constant 0.000000e+00 : f32
    %broadcast_in_dim3A_3 = vector.broadcast %broadcast_in_dim3A : f32 to vector<16xf32>
    %dma_start3A = arith.constant 0 : i32
    %dma_start3A_4 = arith.constant 0 : i32
    %dma_start3A_5 = tpu.memref_slice %arg7[%dma_start3A, %dma_start3A_4] : memref<4x128xi32, #tpu.memory_space<vmem>> -> memref<1x128xi32, #tpu.memory_space<vmem>>
    %dma_start3A_6 = tpu.memref_squeeze %dma_start3A_5 : memref<1x128xi32, #tpu.memory_space<vmem>> -> memref<128xi32, #tpu.memory_space<vmem>>
    %dma_start3A_7 = arith.constant 0 : i32
    %dma_start3A_8 = arith.constant 0 : i32
    %dma_start3A_9 = tpu.memref_slice %arg2[%dma_start3A_7, %dma_start3A_8] : memref<100000x128xf32, #tpu.memory_space<hbm>> -> memref<100000x128xf32, #tpu.memory_space<hbm>>
    tpu.enqueue_indirect_dma source(%dma_start3A_9 : memref<100000x128xf32, #tpu.memory_space<hbm>>) target(%arg9 : memref<128x128xf32, #tpu.memory_space<vmem>>) offsets(%dma_start3A_6 : memref<128xi32, #tpu.memory_space<vmem>>) semaphore(%arg14 : memref<!tpu.dma_semaphore, #tpu.memory_space<semaphore_mem>>)
    %dma_start3A_10 = arith.constant 0 : i32
    %dma_start3A_11 = arith.constant 0 : i32
    %dma_start3A_12 = tpu.memref_slice %arg8[%dma_start3A_10, %dma_start3A_11] : memref<4x128xi32, #tpu.memory_space<vmem>> -> memref<1x128xi32, #tpu.memory_space<vmem>>
    %dma_start3A_13 = tpu.memref_squeeze %dma_start3A_12 : memref<1x128xi32, #tpu.memory_space<vmem>> -> memref<128xi32, #tpu.memory_space<vmem>>
    %dma_start3A_14 = arith.constant 0 : i32
    %dma_start3A_15 = arith.constant 0 : i32
    %dma_start3A_16 = tpu.memref_slice %arg3[%dma_start3A_14, %dma_start3A_15] : memref<100000x128xf32, #tpu.memory_space<hbm>> -> memref<100000x128xf32, #tpu.memory_space<hbm>>
    tpu.enqueue_indirect_dma source(%dma_start3A_16 : memref<100000x128xf32, #tpu.memory_space<hbm>>) target(%arg10 : memref<128x128xf32, #tpu.memory_space<vmem>>) offsets(%dma_start3A_13 : memref<128xi32, #tpu.memory_space<vmem>>) semaphore(%arg15 : memref<!tpu.dma_semaphore, #tpu.memory_space<semaphore_mem>>)
    %dma_start3A_17 = arith.constant 1 : i32
    %dma_start3A_18 = arith.constant 0 : i32
    %dma_start3A_19 = tpu.memref_slice %arg7[%dma_start3A_17, %dma_start3A_18] : memref<4x128xi32, #tpu.memory_space<vmem>> -> memref<1x128xi32, #tpu.memory_space<vmem>>
    %dma_start3A_20 = tpu.memref_squeeze %dma_start3A_19 : memref<1x128xi32, #tpu.memory_space<vmem>> -> memref<128xi32, #tpu.memory_space<vmem>>
    %dma_start3A_21 = arith.constant 0 : i32
    %dma_start3A_22 = arith.constant 0 : i32
    %dma_start3A_23 = tpu.memref_slice %arg2[%dma_start3A_21, %dma_start3A_22] : memref<100000x128xf32, #tpu.memory_space<hbm>> -> memref<100000x128xf32, #tpu.memory_space<hbm>>
    tpu.enqueue_indirect_dma source(%dma_start3A_23 : memref<100000x128xf32, #tpu.memory_space<hbm>>) target(%arg11 : memref<128x128xf32, #tpu.memory_space<vmem>>) offsets(%dma_start3A_20 : memref<128xi32, #tpu.memory_space<vmem>>) semaphore(%arg16 : memref<!tpu.dma_semaphore, #tpu.memory_space<semaphore_mem>>)
    %dma_start3A_24 = arith.constant 1 : i32
    %dma_start3A_25 = arith.constant 0 : i32
    %dma_start3A_26 = tpu.memref_slice %arg8[%dma_start3A_24, %dma_start3A_25] : memref<4x128xi32, #tpu.memory_space<vmem>> -> memref<1x128xi32, #tpu.memory_space<vmem>>
    %dma_start3A_27 = tpu.memref_squeeze %dma_start3A_26 : memref<1x128xi32, #tpu.memory_space<vmem>> -> memref<128xi32, #tpu.memory_space<vmem>>
    %dma_start3A_28 = arith.constant 0 : i32
    %dma_start3A_29 = arith.constant 0 : i32
    %dma_start3A_30 = tpu.memref_slice %arg3[%dma_start3A_28, %dma_start3A_29] : memref<100000x128xf32, #tpu.memory_space<hbm>> -> memref<100000x128xf32, #tpu.memory_space<hbm>>
    tpu.enqueue_indirect_dma source(%dma_start3A_30 : memref<100000x128xf32, #tpu.memory_space<hbm>>) target(%arg12 : memref<128x128xf32, #tpu.memory_space<vmem>>) offsets(%dma_start3A_27 : memref<128xi32, #tpu.memory_space<vmem>>) semaphore(%arg17 : memref<!tpu.dma_semaphore, #tpu.memory_space<semaphore_mem>>)
    %dma_wait3A = arith.constant 0 : i32
    %dma_wait3A_31 = arith.constant 0 : i32
    %dma_wait3A_32 = tpu.memref_slice %arg7[%dma_wait3A, %dma_wait3A_31] : memref<4x128xi32, #tpu.memory_space<vmem>> -> memref<1x128xi32, #tpu.memory_space<vmem>>
    %dma_wait3A_33 = tpu.memref_squeeze %dma_wait3A_32 : memref<1x128xi32, #tpu.memory_space<vmem>> -> memref<128xi32, #tpu.memory_space<vmem>>
    %dma_wait3A_34 = arith.constant 0 : i32
    %dma_wait3A_35 = arith.constant 0 : i32
    %dma_wait3A_36 = tpu.memref_slice %arg2[%dma_wait3A_34, %dma_wait3A_35] : memref<100000x128xf32, #tpu.memory_space<hbm>> -> memref<100000x128xf32, #tpu.memory_space<hbm>>
    tpu.wait_indirect_dma semaphore(%arg14 : memref<!tpu.dma_semaphore, #tpu.memory_space<semaphore_mem>>) src(%dma_wait3A_36 : memref<100000x128xf32, #tpu.memory_space<hbm>>) dst(%arg9 : memref<128x128xf32, #tpu.memory_space<vmem>>)
    %dma_wait3A_37 = arith.constant 0 : i32
    %dma_wait3A_38 = arith.constant 0 : i32
    %dma_wait3A_39 = tpu.memref_slice %arg8[%dma_wait3A_37, %dma_wait3A_38] : memref<4x128xi32, #tpu.memory_space<vmem>> -> memref<1x128xi32, #tpu.memory_space<vmem>>
    %dma_wait3A_40 = tpu.memref_squeeze %dma_wait3A_39 : memref<1x128xi32, #tpu.memory_space<vmem>> -> memref<128xi32, #tpu.memory_space<vmem>>
    %dma_wait3A_41 = arith.constant 0 : i32
    %dma_wait3A_42 = arith.constant 0 : i32
    %dma_wait3A_43 = tpu.memref_slice %arg3[%dma_wait3A_41, %dma_wait3A_42] : memref<100000x128xf32, #tpu.memory_space<hbm>> -> memref<100000x128xf32, #tpu.memory_space<hbm>>
    tpu.wait_indirect_dma semaphore(%arg15 : memref<!tpu.dma_semaphore, #tpu.memory_space<semaphore_mem>>) src(%dma_wait3A_43 : memref<100000x128xf32, #tpu.memory_space<hbm>>) dst(%arg10 : memref<128x128xf32, #tpu.memory_space<vmem>>)
    %scan3A = arith.constant 0 : i32
    %scan3A_44 = arith.constant 0 : i32
    %scan3A_45 = arith.constant 8 : i32
    %scan3A_46 = arith.addi %scan3A_44, %scan3A_45 : i32
    %scan3A_47 = arith.constant 1 : i32
    scf.for %scan3A_143 = %scan3A_44 to %scan3A_46 step %scan3A_47  : i32 {
      %mul3A_144 = arith.constant 16 : i32
      %mul3A_145 = arith.muli %scan3A_143, %mul3A_144 : i32
      %add3A_146 = vector.broadcast %mul3A_145 : i32 to vector<16xi32>
      %add3A_147 = arith.addi %iota3A, %add3A_146 : vector<16xi32>
      %scan3A_148 = arith.constant 0 : i32
      %scan3A_149 = arith.constant 8 : i32
      %scan3A_150 = arith.addi %scan3A_148, %scan3A_149 : i32
      %scan3A_151 = arith.constant 1 : i32
      %scan3A_152:4 = scf.for %scan3A_162 = %scan3A_148 to %scan3A_150 step %scan3A_151 iter_args(%scan3A_163 = %broadcast_in_dim3A_3, %scan3A_164 = %broadcast_in_dim3A_3, %scan3A_165 = %broadcast_in_dim3A_3, %scan3A_166 = %broadcast_in_dim3A_3) -> (vector<16xf32>, vector<16xf32>, vector<16xf32>, vector<16xf32>)  : i32 {
        %mul3A_167 = arith.constant 16 : i32
        %mul3A_168 = arith.muli %scan3A_162, %mul3A_167 : i32
        %add3A_169 = vector.broadcast %mul3A_168 : i32 to vector<16xi32>
        %add3A_170 = arith.addi %iota3A, %add3A_169 : vector<16xi32>
        %add3A_171 = arith.constant 0 : i32
        %add3A_172 = vector.broadcast %add3A_171 : i32 to vector<16xi32>
        %add3A_173 = arith.addi %add3A_170, %add3A_172 : vector<16xi32>
        %and3A = arith.constant 127 : i32
        %and3A_174 = vector.broadcast %and3A : i32 to vector<16xi32>
        %and3A_175 = arith.andi %add3A_173, %and3A_174 : vector<16xi32>
        %gather3A = tpu.vector_load_idx %arg9[%add3A_147, %and3A_175] : memref<128x128xf32, #tpu.memory_space<vmem>>[vector<16xi32>, vector<16xi32>], vector<16xf32>,
        %gather3A_176 = tpu.vector_load_idx %arg10[%add3A_147, %and3A_175] : memref<128x128xf32, #tpu.memory_space<vmem>>[vector<16xi32>, vector<16xi32>], vector<16xf32>,
        %mul3A_177 = arith.mulf %gather3A, %gather3A_176 : vector<16xf32>
        %add3A_178 = arith.addf %scan3A_163, %mul3A_177 : vector<16xf32>
        %add3A_179 = arith.constant 1 : i32
        %add3A_180 = vector.broadcast %add3A_179 : i32 to vector<16xi32>
        %add3A_181 = arith.addi %add3A_170, %add3A_180 : vector<16xi32>
        %and3A_182 = arith.constant 127 : i32
        %and3A_183 = vector.broadcast %and3A_182 : i32 to vector<16xi32>
        %and3A_184 = arith.andi %add3A_181, %and3A_183 : vector<16xi32>
        %gather3A_185 = tpu.vector_load_idx %arg9[%add3A_147, %and3A_184] : memref<128x128xf32, #tpu.memory_space<vmem>>[vector<16xi32>, vector<16xi32>], vector<16xf32>,
        %gather3A_186 = tpu.vector_load_idx %arg10[%add3A_147, %and3A_184] : memref<128x128xf32, #tpu.memory_space<vmem>>[vector<16xi32>, vector<16xi32>], vector<16xf32>,
        %mul3A_187 = arith.mulf %gather3A_185, %gather3A_186 : vector<16xf32>
        %add3A_188 = arith.addf %scan3A_164, %mul3A_187 : vector<16xf32>
        %add3A_189 = arith.constant 2 : i32
        %add3A_190 = vector.broadcast %add3A_189 : i32 to vector<16xi32>
        %add3A_191 = arith.addi %add3A_170, %add3A_190 : vector<16xi32>
        %and3A_192 = arith.constant 127 : i32
        %and3A_193 = vector.broadcast %and3A_192 : i32 to vector<16xi32>
        %and3A_194 = arith.andi %add3A_191, %and3A_193 : vector<16xi32>
        %gather3A_195 = tpu.vector_load_idx %arg9[%add3A_147, %and3A_194] : memref<128x128xf32, #tpu.memory_space<vmem>>[vector<16xi32>, vector<16xi32>], vector<16xf32>,
        %gather3A_196 = tpu.vector_load_idx %arg10[%add3A_147, %and3A_194] : memref<128x128xf32, #tpu.memory_space<vmem>>[vector<16xi32>, vector<16xi32>], vector<16xf32>,
        %mul3A_197 = arith.mulf %gather3A_195, %gather3A_196 : vector<16xf32>
        %add3A_198 = arith.addf %scan3A_165, %mul3A_197 : vector<16xf32>
        %add3A_199 = arith.constant 3 : i32
        %add3A_200 = vector.broadcast %add3A_199 : i32 to vector<16xi32>
        %add3A_201 = arith.addi %add3A_170, %add3A_200 : vector<16xi32>
        %and3A_202 = arith.constant 127 : i32
        %and3A_203 = vector.broadcast %and3A_202 : i32 to vector<16xi32>
        %and3A_204 = arith.andi %add3A_201, %and3A_203 : vector<16xi32>
        %gather3A_205 = tpu.vector_load_idx %arg9[%add3A_147, %and3A_204] : memref<128x128xf32, #tpu.memory_space<vmem>>[vector<16xi32>, vector<16xi32>], vector<16xf32>,
        %gather3A_206 = tpu.vector_load_idx %arg10[%add3A_147, %and3A_204] : memref<128x128xf32, #tpu.memory_space<vmem>>[vector<16xi32>, vector<16xi32>], vector<16xf32>,
        %mul3A_207 = arith.mulf %gather3A_205, %gather3A_206 : vector<16xf32>
        %add3A_208 = arith.addf %scan3A_166, %mul3A_207 : vector<16xf32>
        %add3A_209 = arith.constant 4 : i32
        %add3A_210 = vector.broadcast %add3A_209 : i32 to vector<16xi32>
        %add3A_211 = arith.addi %add3A_170, %add3A_210 : vector<16xi32>
        %and3A_212 = arith.constant 127 : i32
        %and3A_213 = vector.broadcast %and3A_212 : i32 to vector<16xi32>
        %and3A_214 = arith.andi %add3A_211, %and3A_213 : vector<16xi32>
        %gather3A_215 = tpu.vector_load_idx %arg9[%add3A_147, %and3A_214] : memref<128x128xf32, #tpu.memory_space<vmem>>[vector<16xi32>, vector<16xi32>], vector<16xf32>,
        %gather3A_216 = tpu.vector_load_idx %arg10[%add3A_147, %and3A_214] : memref<128x128xf32, #tpu.memory_space<vmem>>[vector<16xi32>, vector<16xi32>], vector<16xf32>,
        %mul3A_217 = arith.mulf %gather3A_215, %gather3A_216 : vector<16xf32>
        %add3A_218 = arith.addf %add3A_178, %mul3A_217 : vector<16xf32>
        %add3A_219 = arith.constant 5 : i32
        %add3A_220 = vector.broadcast %add3A_219 : i32 to vector<16xi32>
        %add3A_221 = arith.addi %add3A_170, %add3A_220 : vector<16xi32>
        %and3A_222 = arith.constant 127 : i32
        %and3A_223 = vector.broadcast %and3A_222 : i32 to vector<16xi32>
        %and3A_224 = arith.andi %add3A_221, %and3A_223 : vector<16xi32>
        %gather3A_225 = tpu.vector_load_idx %arg9[%add3A_147, %and3A_224] : memref<128x128xf32, #tpu.memory_space<vmem>>[vector<16xi32>, vector<16xi32>], vector<16xf32>,
        %gather3A_226 = tpu.vector_load_idx %arg10[%add3A_147, %and3A_224] : memref<128x128xf32, #tpu.memory_space<vmem>>[vector<16xi32>, vector<16xi32>], vector<16xf32>,
        %mul3A_227 = arith.mulf %gather3A_225, %gather3A_226 : vector<16xf32>
        %add3A_228 = arith.addf %add3A_188, %mul3A_227 : vector<16xf32>
        %add3A_229 = arith.constant 6 : i32
        %add3A_230 = vector.broadcast %add3A_229 : i32 to vector<16xi32>
        %add3A_231 = arith.addi %add3A_170, %add3A_230 : vector<16xi32>
        %and3A_232 = arith.constant 127 : i32
        %and3A_233 = vector.broadcast %and3A_232 : i32 to vector<16xi32>
        %and3A_234 = arith.andi %add3A_231, %and3A_233 : vector<16xi32>
        %gather3A_235 = tpu.vector_load_idx %arg9[%add3A_147, %and3A_234] : memref<128x128xf32, #tpu.memory_space<vmem>>[vector<16xi32>, vector<16xi32>], vector<16xf32>,
        %gather3A_236 = tpu.vector_load_idx %arg10[%add3A_147, %and3A_234] : memref<128x128xf32, #tpu.memory_space<vmem>>[vector<16xi32>, vector<16xi32>], vector<16xf32>,
        %mul3A_237 = arith.mulf %gather3A_235, %gather3A_236 : vector<16xf32>
        %add3A_238 = arith.addf %add3A_198, %mul3A_237 : vector<16xf32>
        %add3A_239 = arith.constant 7 : i32
        %add3A_240 = vector.broadcast %add3A_239 : i32 to vector<16xi32>
        %add3A_241 = arith.addi %add3A_170, %add3A_240 : vector<16xi32>
        %and3A_242 = arith.constant 127 : i32
        %and3A_243 = vector.broadcast %and3A_242 : i32 to vector<16xi32>
        %and3A_244 = arith.andi %add3A_241, %and3A_243 : vector<16xi32>
        %gather3A_245 = tpu.vector_load_idx %arg9[%add3A_147, %and3A_244] : memref<128x128xf32, #tpu.memory_space<vmem>>[vector<16xi32>, vector<16xi32>], vector<16xf32>,
        %gather3A_246 = tpu.vector_load_idx %arg10[%add3A_147, %and3A_244] : memref<128x128xf32, #tpu.memory_space<vmem>>[vector<16xi32>, vector<16xi32>], vector<16xf32>,
        %mul3A_247 = arith.mulf %gather3A_245, %gather3A_246 : vector<16xf32>
        %add3A_248 = arith.addf %add3A_208, %mul3A_247 : vector<16xf32>
        %add3A_249 = arith.constant 8 : i32
        %add3A_250 = vector.broadcast %add3A_249 : i32 to vector<16xi32>
        %add3A_251 = arith.addi %add3A_170, %add3A_250 : vector<16xi32>
        %and3A_252 = arith.constant 127 : i32
        %and3A_253 = vector.broadcast %and3A_252 : i32 to vector<16xi32>
        %and3A_254 = arith.andi %add3A_251, %and3A_253 : vector<16xi32>
        %gather3A_255 = tpu.vector_load_idx %arg9[%add3A_147, %and3A_254] : memref<128x128xf32, #tpu.memory_space<vmem>>[vector<16xi32>, vector<16xi32>], vector<16xf32>,
        %gather3A_256 = tpu.vector_load_idx %arg10[%add3A_147, %and3A_254] : memref<128x128xf32, #tpu.memory_space<vmem>>[vector<16xi32>, vector<16xi32>], vector<16xf32>,
        %mul3A_257 = arith.mulf %gather3A_255, %gather3A_256 : vector<16xf32>
        %add3A_258 = arith.addf %add3A_218, %mul3A_257 : vector<16xf32>
        %add3A_259 = arith.constant 9 : i32
        %add3A_260 = vector.broadcast %add3A_259 : i32 to vector<16xi32>
        %add3A_261 = arith.addi %add3A_170, %add3A_260 : vector<16xi32>
        %and3A_262 = arith.constant 127 : i32
        %and3A_263 = vector.broadcast %and3A_262 : i32 to vector<16xi32>
        %and3A_264 = arith.andi %add3A_261, %and3A_263 : vector<16xi32>
        %gather3A_265 = tpu.vector_load_idx %arg9[%add3A_147, %and3A_264] : memref<128x128xf32, #tpu.memory_space<vmem>>[vector<16xi32>, vector<16xi32>], vector<16xf32>,
        %gather3A_266 = tpu.vector_load_idx %arg10[%add3A_147, %and3A_264] : memref<128x128xf32, #tpu.memory_space<vmem>>[vector<16xi32>, vector<16xi32>], vector<16xf32>,
        %mul3A_267 = arith.mulf %gather3A_265, %gather3A_266 : vector<16xf32>
        %add3A_268 = arith.addf %add3A_228, %mul3A_267 : vector<16xf32>
        %add3A_269 = arith.constant 10 : i32
        %add3A_270 = vector.broadcast %add3A_269 : i32 to vector<16xi32>
        %add3A_271 = arith.addi %add3A_170, %add3A_270 : vector<16xi32>
        %and3A_272 = arith.constant 127 : i32
        %and3A_273 = vector.broadcast %and3A_272 : i32 to vector<16xi32>
        %and3A_274 = arith.andi %add3A_271, %and3A_273 : vector<16xi32>
        %gather3A_275 = tpu.vector_load_idx %arg9[%add3A_147, %and3A_274] : memref<128x128xf32, #tpu.memory_space<vmem>>[vector<16xi32>, vector<16xi32>], vector<16xf32>,
        %gather3A_276 = tpu.vector_load_idx %arg10[%add3A_147, %and3A_274] : memref<128x128xf32, #tpu.memory_space<vmem>>[vector<16xi32>, vector<16xi32>], vector<16xf32>,
        %mul3A_277 = arith.mulf %gather3A_275, %gather3A_276 : vector<16xf32>
        %add3A_278 = arith.addf %add3A_238, %mul3A_277 : vector<16xf32>
        %add3A_279 = arith.constant 11 : i32
        %add3A_280 = vector.broadcast %add3A_279 : i32 to vector<16xi32>
        %add3A_281 = arith.addi %add3A_170, %add3A_280 : vector<16xi32>
        %and3A_282 = arith.constant 127 : i32
        %and3A_283 = vector.broadcast %and3A_282 : i32 to vector<16xi32>
        %and3A_284 = arith.andi %add3A_281, %and3A_283 : vector<16xi32>
        %gather3A_285 = tpu.vector_load_idx %arg9[%add3A_147, %and3A_284] : memref<128x128xf32, #tpu.memory_space<vmem>>[vector<16xi32>, vector<16xi32>], vector<16xf32>,
        %gather3A_286 = tpu.vector_load_idx %arg10[%add3A_147, %and3A_284] : memref<128x128xf32, #tpu.memory_space<vmem>>[vector<16xi32>, vector<16xi32>], vector<16xf32>,
        %mul3A_287 = arith.mulf %gather3A_285, %gather3A_286 : vector<16xf32>
        %add3A_288 = arith.addf %add3A_248, %mul3A_287 : vector<16xf32>
        %add3A_289 = arith.constant 12 : i32
        %add3A_290 = vector.broadcast %add3A_289 : i32 to vector<16xi32>
        %add3A_291 = arith.addi %add3A_170, %add3A_290 : vector<16xi32>
        %and3A_292 = arith.constant 127 : i32
        %and3A_293 = vector.broadcast %and3A_292 : i32 to vector<16xi32>
        %and3A_294 = arith.andi %add3A_291, %and3A_293 : vector<16xi32>
        %gather3A_295 = tpu.vector_load_idx %arg9[%add3A_147, %and3A_294] : memref<128x128xf32, #tpu.memory_space<vmem>>[vector<16xi32>, vector<16xi32>], vector<16xf32>,
        %gather3A_296 = tpu.vector_load_idx %arg10[%add3A_147, %and3A_294] : memref<128x128xf32, #tpu.memory_space<vmem>>[vector<16xi32>, vector<16xi32>], vector<16xf32>,
        %mul3A_297 = arith.mulf %gather3A_295, %gather3A_296 : vector<16xf32>
        %add3A_298 = arith.addf %add3A_258, %mul3A_297 : vector<16xf32>
        %add3A_299 = arith.constant 13 : i32
        %add3A_300 = vector.broadcast %add3A_299 : i32 to vector<16xi32>
        %add3A_301 = arith.addi %add3A_170, %add3A_300 : vector<16xi32>
        %and3A_302 = arith.constant 127 : i32
        %and3A_303 = vector.broadcast %and3A_302 : i32 to vector<16xi32>
        %and3A_304 = arith.andi %add3A_301, %and3A_303 : vector<16xi32>
        %gather3A_305 = tpu.vector_load_idx %arg9[%add3A_147, %and3A_304] : memref<128x128xf32, #tpu.memory_space<vmem>>[vector<16xi32>, vector<16xi32>], vector<16xf32>,
        %gather3A_306 = tpu.vector_load_idx %arg10[%add3A_147, %and3A_304] : memref<128x128xf32, #tpu.memory_space<vmem>>[vector<16xi32>, vector<16xi32>], vector<16xf32>,
        %mul3A_307 = arith.mulf %gather3A_305, %gather3A_306 : vector<16xf32>
        %add3A_308 = arith.addf %add3A_268, %mul3A_307 : vector<16xf32>
        %add3A_309 = arith.constant 14 : i32
        %add3A_310 = vector.broadcast %add3A_309 : i32 to vector<16xi32>
        %add3A_311 = arith.addi %add3A_170, %add3A_310 : vector<16xi32>
        %and3A_312 = arith.constant 127 : i32
        %and3A_313 = vector.broadcast %and3A_312 : i32 to vector<16xi32>
        %and3A_314 = arith.andi %add3A_311, %and3A_313 : vector<16xi32>
        %gather3A_315 = tpu.vector_load_idx %arg9[%add3A_147, %and3A_314] : memref<128x128xf32, #tpu.memory_space<vmem>>[vector<16xi32>, vector<16xi32>], vector<16xf32>,
        %gather3A_316 = tpu.vector_load_idx %arg10[%add3A_147, %and3A_314] : memref<128x128xf32, #tpu.memory_space<vmem>>[vector<16xi32>, vector<16xi32>], vector<16xf32>,
        %mul3A_317 = arith.mulf %gather3A_315, %gather3A_316 : vector<16xf32>
        %add3A_318 = arith.addf %add3A_278, %mul3A_317 : vector<16xf32>
        %add3A_319 = arith.constant 15 : i32
        %add3A_320 = vector.broadcast %add3A_319 : i32 to vector<16xi32>
        %add3A_321 = arith.addi %add3A_170, %add3A_320 : vector<16xi32>
        %and3A_322 = arith.constant 127 : i32
        %and3A_323 = vector.broadcast %and3A_322 : i32 to vector<16xi32>
        %and3A_324 = arith.andi %add3A_321, %and3A_323 : vector<16xi32>
        %gather3A_325 = tpu.vector_load_idx %arg9[%add3A_147, %and3A_324] : memref<128x128xf32, #tpu.memory_space<vmem>>[vector<16xi32>, vector<16xi32>], vector<16xf32>,
        %gather3A_326 = tpu.vector_load_idx %arg10[%add3A_147, %and3A_324] : memref<128x128xf32, #tpu.memory_space<vmem>>[vector<16xi32>, vector<16xi32>], vector<16xf32>,
        %mul3A_327 = arith.mulf %gather3A_325, %gather3A_326 : vector<16xf32>
        %add3A_328 = arith.addf %add3A_288, %mul3A_327 : vector<16xf32>
        scf.yield %add3A_298, %add3A_308, %add3A_318, %add3A_328 : vector<16xf32>, vector<16xf32>, vector<16xf32>, vector<16xf32>
      }
      %scan3A_153 = arith.constant 8 : i32
      %add3A_154 = arith.addf %scan3A_152#0, %scan3A_152#1 : vector<16xf32>
      %add3A_155 = arith.addf %scan3A_152#2, %scan3A_152#3 : vector<16xf32>
      %add3A_156 = arith.addf %add3A_154, %add3A_155 : vector<16xf32>
      %mul3A_157 = arith.constant 16 : i32
      %mul3A_158 = arith.muli %scan3A_143, %mul3A_157 : i32
      %add3A_159 = arith.constant 0 : i32
      %add3A_160 = arith.addi %add3A_159, %mul3A_158 : i32
      %swap3A = arith.index_cast %add3A_160 : i32 to index
      %swap3A_161 = tpu.vector_load %arg13[%swap3A] {strides = array<i32>} : memref<512xf32, #tpu.memory_space<vmem>>, vector<16xf32>,
      tpu.vector_store %arg13[%swap3A], %add3A_156 {strides = array<i32>} : memref<512xf32, #tpu.memory_space<vmem>>, vector<16xf32>,
    }
    %scan3A_48 = arith.constant 8 : i32
    %dma_start3A_49 = arith.constant 2 : i32
    %dma_start3A_50 = arith.constant 0 : i32
    %dma_start3A_51 = tpu.memref_slice %arg7[%dma_start3A_49, %dma_start3A_50] : memref<4x128xi32, #tpu.memory_space<vmem>> -> memref<1x128xi32, #tpu.memory_space<vmem>>
    %dma_start3A_52 = tpu.memref_squeeze %dma_start3A_51 : memref<1x128xi32, #tpu.memory_space<vmem>> -> memref<128xi32, #tpu.memory_space<vmem>>
    %dma_start3A_53 = arith.constant 0 : i32
    %dma_start3A_54 = arith.constant 0 : i32
    %dma_start3A_55 = tpu.memref_slice %arg2[%dma_start3A_53, %dma_start3A_54] : memref<100000x128xf32, #tpu.memory_space<hbm>> -> memref<100000x128xf32, #tpu.memory_space<hbm>>
    tpu.enqueue_indirect_dma source(%dma_start3A_55 : memref<100000x128xf32, #tpu.memory_space<hbm>>) target(%arg9 : memref<128x128xf32, #tpu.memory_space<vmem>>) offsets(%dma_start3A_52 : memref<128xi32, #tpu.memory_space<vmem>>) semaphore(%arg14 : memref<!tpu.dma_semaphore, #tpu.memory_space<semaphore_mem>>)
    %dma_start3A_56 = arith.constant 2 : i32
    %dma_start3A_57 = arith.constant 0 : i32
    %dma_start3A_58 = tpu.memref_slice %arg8[%dma_start3A_56, %dma_start3A_57] : memref<4x128xi32, #tpu.memory_space<vmem>> -> memref<1x128xi32, #tpu.memory_space<vmem>>
    %dma_start3A_59 = tpu.memref_squeeze %dma_start3A_58 : memref<1x128xi32, #tpu.memory_space<vmem>> -> memref<128xi32, #tpu.memory_space<vmem>>
    %dma_start3A_60 = arith.constant 0 : i32
    %dma_start3A_61 = arith.constant 0 : i32
    %dma_start3A_62 = tpu.memref_slice %arg3[%dma_start3A_60, %dma_start3A_61] : memref<100000x128xf32, #tpu.memory_space<hbm>> -> memref<100000x128xf32, #tpu.memory_space<hbm>>
    tpu.enqueue_indirect_dma source(%dma_start3A_62 : memref<100000x128xf32, #tpu.memory_space<hbm>>) target(%arg10 : memref<128x128xf32, #tpu.memory_space<vmem>>) offsets(%dma_start3A_59 : memref<128xi32, #tpu.memory_space<vmem>>) semaphore(%arg15 : memref<!tpu.dma_semaphore, #tpu.memory_space<semaphore_mem>>)
    %dma_wait3A_63 = arith.constant 1 : i32
    %dma_wait3A_64 = arith.constant 0 : i32
    %dma_wait3A_65 = tpu.memref_slice %arg7[%dma_wait3A_63, %dma_wait3A_64] : memref<4x128xi32, #tpu.memory_space<vmem>> -> memref<1x128xi32, #tpu.memory_space<vmem>>
    %dma_wait3A_66 = tpu.memref_squeeze %dma_wait3A_65 : memref<1x128xi32, #tpu.memory_space<vmem>> -> memref<128xi32, #tpu.memory_space<vmem>>
    %dma_wait3A_67 = arith.constant 0 : i32
    %dma_wait3A_68 = arith.constant 0 : i32
    %dma_wait3A_69 = tpu.memref_slice %arg2[%dma_wait3A_67, %dma_wait3A_68] : memref<100000x128xf32, #tpu.memory_space<hbm>> -> memref<100000x128xf32, #tpu.memory_space<hbm>>
    tpu.wait_indirect_dma semaphore(%arg16 : memref<!tpu.dma_semaphore, #tpu.memory_space<semaphore_mem>>) src(%dma_wait3A_69 : memref<100000x128xf32, #tpu.memory_space<hbm>>) dst(%arg11 : memref<128x128xf32, #tpu.memory_space<vmem>>)
    %dma_wait3A_70 = arith.constant 1 : i32
    %dma_wait3A_71 = arith.constant 0 : i32
    %dma_wait3A_72 = tpu.memref_slice %arg8[%dma_wait3A_70, %dma_wait3A_71] : memref<4x128xi32, #tpu.memory_space<vmem>> -> memref<1x128xi32, #tpu.memory_space<vmem>>
    %dma_wait3A_73 = tpu.memref_squeeze %dma_wait3A_72 : memref<1x128xi32, #tpu.memory_space<vmem>> -> memref<128xi32, #tpu.memory_space<vmem>>
    %dma_wait3A_74 = arith.constant 0 : i32
    %dma_wait3A_75 = arith.constant 0 : i32
    %dma_wait3A_76 = tpu.memref_slice %arg3[%dma_wait3A_74, %dma_wait3A_75] : memref<100000x128xf32, #tpu.memory_space<hbm>> -> memref<100000x128xf32, #tpu.memory_space<hbm>>
    tpu.wait_indirect_dma semaphore(%arg17 : memref<!tpu.dma_semaphore, #tpu.memory_space<semaphore_mem>>) src(%dma_wait3A_76 : memref<100000x128xf32, #tpu.memory_space<hbm>>) dst(%arg12 : memref<128x128xf32, #tpu.memory_space<vmem>>)
    %scan3A_77 = arith.constant 0 : i32
    %scan3A_78 = arith.constant 0 : i32
    %scan3A_79 = arith.constant 8 : i32
    %scan3A_80 = arith.addi %scan3A_78, %scan3A_79 : i32
    %scan3A_81 = arith.constant 1 : i32
    scf.for %scan3A_143 = %scan3A_78 to %scan3A_80 step %scan3A_81  : i32 {
      %mul3A_144 = arith.constant 16 : i32
      %mul3A_145 = arith.muli %scan3A_143, %mul3A_144 : i32
      %add3A_146 = vector.broadcast %mul3A_145 : i32 to vector<16xi32>
      %add3A_147 = arith.addi %iota3A, %add3A_146 : vector<16xi32>
      %scan3A_148 = arith.constant 0 : i32
      %scan3A_149 = arith.constant 8 : i32
      %scan3A_150 = arith.addi %scan3A_148, %scan3A_149 : i32
      %scan3A_151 = arith.constant 1 : i32
      %scan3A_152:4 = scf.for %scan3A_162 = %scan3A_148 to %scan3A_150 step %scan3A_151 iter_args(%scan3A_163 = %broadcast_in_dim3A_3, %scan3A_164 = %broadcast_in_dim3A_3, %scan3A_165 = %broadcast_in_dim3A_3, %scan3A_166 = %broadcast_in_dim3A_3) -> (vector<16xf32>, vector<16xf32>, vector<16xf32>, vector<16xf32>)  : i32 {
        %mul3A_167 = arith.constant 16 : i32
        %mul3A_168 = arith.muli %scan3A_162, %mul3A_167 : i32
        %add3A_169 = vector.broadcast %mul3A_168 : i32 to vector<16xi32>
        %add3A_170 = arith.addi %iota3A, %add3A_169 : vector<16xi32>
        %add3A_171 = arith.constant 0 : i32
        %add3A_172 = vector.broadcast %add3A_171 : i32 to vector<16xi32>
        %add3A_173 = arith.addi %add3A_170, %add3A_172 : vector<16xi32>
        %and3A = arith.constant 127 : i32
        %and3A_174 = vector.broadcast %and3A : i32 to vector<16xi32>
        %and3A_175 = arith.andi %add3A_173, %and3A_174 : vector<16xi32>
        %gather3A = tpu.vector_load_idx %arg11[%add3A_147, %and3A_175] : memref<128x128xf32, #tpu.memory_space<vmem>>[vector<16xi32>, vector<16xi32>], vector<16xf32>,
        %gather3A_176 = tpu.vector_load_idx %arg12[%add3A_147, %and3A_175] : memref<128x128xf32, #tpu.memory_space<vmem>>[vector<16xi32>, vector<16xi32>], vector<16xf32>,
        %mul3A_177 = arith.mulf %gather3A, %gather3A_176 : vector<16xf32>
        %add3A_178 = arith.addf %scan3A_163, %mul3A_177 : vector<16xf32>
        %add3A_179 = arith.constant 1 : i32
        %add3A_180 = vector.broadcast %add3A_179 : i32 to vector<16xi32>
        %add3A_181 = arith.addi %add3A_170, %add3A_180 : vector<16xi32>
        %and3A_182 = arith.constant 127 : i32
        %and3A_183 = vector.broadcast %and3A_182 : i32 to vector<16xi32>
        %and3A_184 = arith.andi %add3A_181, %and3A_183 : vector<16xi32>
        %gather3A_185 = tpu.vector_load_idx %arg11[%add3A_147, %and3A_184] : memref<128x128xf32, #tpu.memory_space<vmem>>[vector<16xi32>, vector<16xi32>], vector<16xf32>,
        %gather3A_186 = tpu.vector_load_idx %arg12[%add3A_147, %and3A_184] : memref<128x128xf32, #tpu.memory_space<vmem>>[vector<16xi32>, vector<16xi32>], vector<16xf32>,
        %mul3A_187 = arith.mulf %gather3A_185, %gather3A_186 : vector<16xf32>
        %add3A_188 = arith.addf %scan3A_164, %mul3A_187 : vector<16xf32>
        %add3A_189 = arith.constant 2 : i32
        %add3A_190 = vector.broadcast %add3A_189 : i32 to vector<16xi32>
        %add3A_191 = arith.addi %add3A_170, %add3A_190 : vector<16xi32>
        %and3A_192 = arith.constant 127 : i32
        %and3A_193 = vector.broadcast %and3A_192 : i32 to vector<16xi32>
        %and3A_194 = arith.andi %add3A_191, %and3A_193 : vector<16xi32>
        %gather3A_195 = tpu.vector_load_idx %arg11[%add3A_147, %and3A_194] : memref<128x128xf32, #tpu.memory_space<vmem>>[vector<16xi32>, vector<16xi32>], vector<16xf32>,
        %gather3A_196 = tpu.vector_load_idx %arg12[%add3A_147, %and3A_194] : memref<128x128xf32, #tpu.memory_space<vmem>>[vector<16xi32>, vector<16xi32>], vector<16xf32>,
        %mul3A_197 = arith.mulf %gather3A_195, %gather3A_196 : vector<16xf32>
        %add3A_198 = arith.addf %scan3A_165, %mul3A_197 : vector<16xf32>
        %add3A_199 = arith.constant 3 : i32
        %add3A_200 = vector.broadcast %add3A_199 : i32 to vector<16xi32>
        %add3A_201 = arith.addi %add3A_170, %add3A_200 : vector<16xi32>
        %and3A_202 = arith.constant 127 : i32
        %and3A_203 = vector.broadcast %and3A_202 : i32 to vector<16xi32>
        %and3A_204 = arith.andi %add3A_201, %and3A_203 : vector<16xi32>
        %gather3A_205 = tpu.vector_load_idx %arg11[%add3A_147, %and3A_204] : memref<128x128xf32, #tpu.memory_space<vmem>>[vector<16xi32>, vector<16xi32>], vector<16xf32>,
        %gather3A_206 = tpu.vector_load_idx %arg12[%add3A_147, %and3A_204] : memref<128x128xf32, #tpu.memory_space<vmem>>[vector<16xi32>, vector<16xi32>], vector<16xf32>,
        %mul3A_207 = arith.mulf %gather3A_205, %gather3A_206 : vector<16xf32>
        %add3A_208 = arith.addf %scan3A_166, %mul3A_207 : vector<16xf32>
        %add3A_209 = arith.constant 4 : i32
        %add3A_210 = vector.broadcast %add3A_209 : i32 to vector<16xi32>
        %add3A_211 = arith.addi %add3A_170, %add3A_210 : vector<16xi32>
        %and3A_212 = arith.constant 127 : i32
        %and3A_213 = vector.broadcast %and3A_212 : i32 to vector<16xi32>
        %and3A_214 = arith.andi %add3A_211, %and3A_213 : vector<16xi32>
        %gather3A_215 = tpu.vector_load_idx %arg11[%add3A_147, %and3A_214] : memref<128x128xf32, #tpu.memory_space<vmem>>[vector<16xi32>, vector<16xi32>], vector<16xf32>,
        %gather3A_216 = tpu.vector_load_idx %arg12[%add3A_147, %and3A_214] : memref<128x128xf32, #tpu.memory_space<vmem>>[vector<16xi32>, vector<16xi32>], vector<16xf32>,
        %mul3A_217 = arith.mulf %gather3A_215, %gather3A_216 : vector<16xf32>
        %add3A_218 = arith.addf %add3A_178, %mul3A_217 : vector<16xf32>
        %add3A_219 = arith.constant 5 : i32
        %add3A_220 = vector.broadcast %add3A_219 : i32 to vector<16xi32>
        %add3A_221 = arith.addi %add3A_170, %add3A_220 : vector<16xi32>
        %and3A_222 = arith.constant 127 : i32
        %and3A_223 = vector.broadcast %and3A_222 : i32 to vector<16xi32>
        %and3A_224 = arith.andi %add3A_221, %and3A_223 : vector<16xi32>
        %gather3A_225 = tpu.vector_load_idx %arg11[%add3A_147, %and3A_224] : memref<128x128xf32, #tpu.memory_space<vmem>>[vector<16xi32>, vector<16xi32>], vector<16xf32>,
        %gather3A_226 = tpu.vector_load_idx %arg12[%add3A_147, %and3A_224] : memref<128x128xf32, #tpu.memory_space<vmem>>[vector<16xi32>, vector<16xi32>], vector<16xf32>,
        %mul3A_227 = arith.mulf %gather3A_225, %gather3A_226 : vector<16xf32>
        %add3A_228 = arith.addf %add3A_188, %mul3A_227 : vector<16xf32>
        %add3A_229 = arith.constant 6 : i32
        %add3A_230 = vector.broadcast %add3A_229 : i32 to vector<16xi32>
        %add3A_231 = arith.addi %add3A_170, %add3A_230 : vector<16xi32>
        %and3A_232 = arith.constant 127 : i32
        %and3A_233 = vector.broadcast %and3A_232 : i32 to vector<16xi32>
        %and3A_234 = arith.andi %add3A_231, %and3A_233 : vector<16xi32>
        %gather3A_235 = tpu.vector_load_idx %arg11[%add3A_147, %and3A_234] : memref<128x128xf32, #tpu.memory_space<vmem>>[vector<16xi32>, vector<16xi32>], vector<16xf32>,
        %gather3A_236 = tpu.vector_load_idx %arg12[%add3A_147, %and3A_234] : memref<128x128xf32, #tpu.memory_space<vmem>>[vector<16xi32>, vector<16xi32>], vector<16xf32>,
        %mul3A_237 = arith.mulf %gather3A_235, %gather3A_236 : vector<16xf32>
        %add3A_238 = arith.addf %add3A_198, %mul3A_237 : vector<16xf32>
        %add3A_239 = arith.constant 7 : i32
        %add3A_240 = vector.broadcast %add3A_239 : i32 to vector<16xi32>
        %add3A_241 = arith.addi %add3A_170, %add3A_240 : vector<16xi32>
        %and3A_242 = arith.constant 127 : i32
        %and3A_243 = vector.broadcast %and3A_242 : i32 to vector<16xi32>
        %and3A_244 = arith.andi %add3A_241, %and3A_243 : vector<16xi32>
        %gather3A_245 = tpu.vector_load_idx %arg11[%add3A_147, %and3A_244] : memref<128x128xf32, #tpu.memory_space<vmem>>[vector<16xi32>, vector<16xi32>], vector<16xf32>,
        %gather3A_246 = tpu.vector_load_idx %arg12[%add3A_147, %and3A_244] : memref<128x128xf32, #tpu.memory_space<vmem>>[vector<16xi32>, vector<16xi32>], vector<16xf32>,
        %mul3A_247 = arith.mulf %gather3A_245, %gather3A_246 : vector<16xf32>
        %add3A_248 = arith.addf %add3A_208, %mul3A_247 : vector<16xf32>
        %add3A_249 = arith.constant 8 : i32
        %add3A_250 = vector.broadcast %add3A_249 : i32 to vector<16xi32>
        %add3A_251 = arith.addi %add3A_170, %add3A_250 : vector<16xi32>
        %and3A_252 = arith.constant 127 : i32
        %and3A_253 = vector.broadcast %and3A_252 : i32 to vector<16xi32>
        %and3A_254 = arith.andi %add3A_251, %and3A_253 : vector<16xi32>
        %gather3A_255 = tpu.vector_load_idx %arg11[%add3A_147, %and3A_254] : memref<128x128xf32, #tpu.memory_space<vmem>>[vector<16xi32>, vector<16xi32>], vector<16xf32>,
        %gather3A_256 = tpu.vector_load_idx %arg12[%add3A_147, %and3A_254] : memref<128x128xf32, #tpu.memory_space<vmem>>[vector<16xi32>, vector<16xi32>], vector<16xf32>,
        %mul3A_257 = arith.mulf %gather3A_255, %gather3A_256 : vector<16xf32>
        %add3A_258 = arith.addf %add3A_218, %mul3A_257 : vector<16xf32>
        %add3A_259 = arith.constant 9 : i32
        %add3A_260 = vector.broadcast %add3A_259 : i32 to vector<16xi32>
        %add3A_261 = arith.addi %add3A_170, %add3A_260 : vector<16xi32>
        %and3A_262 = arith.constant 127 : i32
        %and3A_263 = vector.broadcast %and3A_262 : i32 to vector<16xi32>
        %and3A_264 = arith.andi %add3A_261, %and3A_263 : vector<16xi32>
        %gather3A_265 = tpu.vector_load_idx %arg11[%add3A_147, %and3A_264] : memref<128x128xf32, #tpu.memory_space<vmem>>[vector<16xi32>, vector<16xi32>], vector<16xf32>,
        %gather3A_266 = tpu.vector_load_idx %arg12[%add3A_147, %and3A_264] : memref<128x128xf32, #tpu.memory_space<vmem>>[vector<16xi32>, vector<16xi32>], vector<16xf32>,
        %mul3A_267 = arith.mulf %gather3A_265, %gather3A_266 : vector<16xf32>
        %add3A_268 = arith.addf %add3A_228, %mul3A_267 : vector<16xf32>
        %add3A_269 = arith.constant 10 : i32
        %add3A_270 = vector.broadcast %add3A_269 : i32 to vector<16xi32>
        %add3A_271 = arith.addi %add3A_170, %add3A_270 : vector<16xi32>
        %and3A_272 = arith.constant 127 : i32
        %and3A_273 = vector.broadcast %and3A_272 : i32 to vector<16xi32>
        %and3A_274 = arith.andi %add3A_271, %and3A_273 : vector<16xi32>
        %gather3A_275 = tpu.vector_load_idx %arg11[%add3A_147, %and3A_274] : memref<128x128xf32, #tpu.memory_space<vmem>>[vector<16xi32>, vector<16xi32>], vector<16xf32>,
        %gather3A_276 = tpu.vector_load_idx %arg12[%add3A_147, %and3A_274] : memref<128x128xf32, #tpu.memory_space<vmem>>[vector<16xi32>, vector<16xi32>], vector<16xf32>,
        %mul3A_277 = arith.mulf %gather3A_275, %gather3A_276 : vector<16xf32>
        %add3A_278 = arith.addf %add3A_238, %mul3A_277 : vector<16xf32>
        %add3A_279 = arith.constant 11 : i32
        %add3A_280 = vector.broadcast %add3A_279 : i32 to vector<16xi32>
        %add3A_281 = arith.addi %add3A_170, %add3A_280 : vector<16xi32>
        %and3A_282 = arith.constant 127 : i32
        %and3A_283 = vector.broadcast %and3A_282 : i32 to vector<16xi32>
        %and3A_284 = arith.andi %add3A_281, %and3A_283 : vector<16xi32>
        %gather3A_285 = tpu.vector_load_idx %arg11[%add3A_147, %and3A_284] : memref<128x128xf32, #tpu.memory_space<vmem>>[vector<16xi32>, vector<16xi32>], vector<16xf32>,
        %gather3A_286 = tpu.vector_load_idx %arg12[%add3A_147, %and3A_284] : memref<128x128xf32, #tpu.memory_space<vmem>>[vector<16xi32>, vector<16xi32>], vector<16xf32>,
        %mul3A_287 = arith.mulf %gather3A_285, %gather3A_286 : vector<16xf32>
        %add3A_288 = arith.addf %add3A_248, %mul3A_287 : vector<16xf32>
        %add3A_289 = arith.constant 12 : i32
        %add3A_290 = vector.broadcast %add3A_289 : i32 to vector<16xi32>
        %add3A_291 = arith.addi %add3A_170, %add3A_290 : vector<16xi32>
        %and3A_292 = arith.constant 127 : i32
        %and3A_293 = vector.broadcast %and3A_292 : i32 to vector<16xi32>
        %and3A_294 = arith.andi %add3A_291, %and3A_293 : vector<16xi32>
        %gather3A_295 = tpu.vector_load_idx %arg11[%add3A_147, %and3A_294] : memref<128x128xf32, #tpu.memory_space<vmem>>[vector<16xi32>, vector<16xi32>], vector<16xf32>,
        %gather3A_296 = tpu.vector_load_idx %arg12[%add3A_147, %and3A_294] : memref<128x128xf32, #tpu.memory_space<vmem>>[vector<16xi32>, vector<16xi32>], vector<16xf32>,
        %mul3A_297 = arith.mulf %gather3A_295, %gather3A_296 : vector<16xf32>
        %add3A_298 = arith.addf %add3A_258, %mul3A_297 : vector<16xf32>
        %add3A_299 = arith.constant 13 : i32
        %add3A_300 = vector.broadcast %add3A_299 : i32 to vector<16xi32>
        %add3A_301 = arith.addi %add3A_170, %add3A_300 : vector<16xi32>
        %and3A_302 = arith.constant 127 : i32
        %and3A_303 = vector.broadcast %and3A_302 : i32 to vector<16xi32>
        %and3A_304 = arith.andi %add3A_301, %and3A_303 : vector<16xi32>
        %gather3A_305 = tpu.vector_load_idx %arg11[%add3A_147, %and3A_304] : memref<128x128xf32, #tpu.memory_space<vmem>>[vector<16xi32>, vector<16xi32>], vector<16xf32>,
        %gather3A_306 = tpu.vector_load_idx %arg12[%add3A_147, %and3A_304] : memref<128x128xf32, #tpu.memory_space<vmem>>[vector<16xi32>, vector<16xi32>], vector<16xf32>,
        %mul3A_307 = arith.mulf %gather3A_305, %gather3A_306 : vector<16xf32>
        %add3A_308 = arith.addf %add3A_268, %mul3A_307 : vector<16xf32>
        %add3A_309 = arith.constant 14 : i32
        %add3A_310 = vector.broadcast %add3A_309 : i32 to vector<16xi32>
        %add3A_311 = arith.addi %add3A_170, %add3A_310 : vector<16xi32>
        %and3A_312 = arith.constant 127 : i32
        %and3A_313 = vector.broadcast %and3A_312 : i32 to vector<16xi32>
        %and3A_314 = arith.andi %add3A_311, %and3A_313 : vector<16xi32>
        %gather3A_315 = tpu.vector_load_idx %arg11[%add3A_147, %and3A_314] : memref<128x128xf32, #tpu.memory_space<vmem>>[vector<16xi32>, vector<16xi32>], vector<16xf32>,
        %gather3A_316 = tpu.vector_load_idx %arg12[%add3A_147, %and3A_314] : memref<128x128xf32, #tpu.memory_space<vmem>>[vector<16xi32>, vector<16xi32>], vector<16xf32>,
        %mul3A_317 = arith.mulf %gather3A_315, %gather3A_316 : vector<16xf32>
        %add3A_318 = arith.addf %add3A_278, %mul3A_317 : vector<16xf32>
        %add3A_319 = arith.constant 15 : i32
        %add3A_320 = vector.broadcast %add3A_319 : i32 to vector<16xi32>
        %add3A_321 = arith.addi %add3A_170, %add3A_320 : vector<16xi32>
        %and3A_322 = arith.constant 127 : i32
        %and3A_323 = vector.broadcast %and3A_322 : i32 to vector<16xi32>
        %and3A_324 = arith.andi %add3A_321, %and3A_323 : vector<16xi32>
        %gather3A_325 = tpu.vector_load_idx %arg11[%add3A_147, %and3A_324] : memref<128x128xf32, #tpu.memory_space<vmem>>[vector<16xi32>, vector<16xi32>], vector<16xf32>,
        %gather3A_326 = tpu.vector_load_idx %arg12[%add3A_147, %and3A_324] : memref<128x128xf32, #tpu.memory_space<vmem>>[vector<16xi32>, vector<16xi32>], vector<16xf32>,
        %mul3A_327 = arith.mulf %gather3A_325, %gather3A_326 : vector<16xf32>
        %add3A_328 = arith.addf %add3A_288, %mul3A_327 : vector<16xf32>
        scf.yield %add3A_298, %add3A_308, %add3A_318, %add3A_328 : vector<16xf32>, vector<16xf32>, vector<16xf32>, vector<16xf32>
      }
      %scan3A_153 = arith.constant 8 : i32
      %add3A_154 = arith.addf %scan3A_152#0, %scan3A_152#1 : vector<16xf32>
      %add3A_155 = arith.addf %scan3A_152#2, %scan3A_152#3 : vector<16xf32>
      %add3A_156 = arith.addf %add3A_154, %add3A_155 : vector<16xf32>
      %mul3A_157 = arith.constant 16 : i32
      %mul3A_158 = arith.muli %scan3A_143, %mul3A_157 : i32
      %add3A_159 = arith.constant 128 : i32
      %add3A_160 = arith.addi %add3A_159, %mul3A_158 : i32
      %swap3A = arith.index_cast %add3A_160 : i32 to index
      %swap3A_161 = tpu.vector_load %arg13[%swap3A] {strides = array<i32>} : memref<512xf32, #tpu.memory_space<vmem>>, vector<16xf32>,
      tpu.vector_store %arg13[%swap3A], %add3A_156 {strides = array<i32>} : memref<512xf32, #tpu.memory_space<vmem>>, vector<16xf32>,
    }
    %scan3A_82 = arith.constant 8 : i32
    %dma_start3A_83 = arith.constant 3 : i32
    %dma_start3A_84 = arith.constant 0 : i32
    %dma_start3A_85 = tpu.memref_slice %arg7[%dma_start3A_83, %dma_start3A_84] : memref<4x128xi32, #tpu.memory_space<vmem>> -> memref<1x128xi32, #tpu.memory_space<vmem>>
    %dma_start3A_86 = tpu.memref_squeeze %dma_start3A_85 : memref<1x128xi32, #tpu.memory_space<vmem>> -> memref<128xi32, #tpu.memory_space<vmem>>
    %dma_start3A_87 = arith.constant 0 : i32
    %dma_start3A_88 = arith.constant 0 : i32
    %dma_start3A_89 = tpu.memref_slice %arg2[%dma_start3A_87, %dma_start3A_88] : memref<100000x128xf32, #tpu.memory_space<hbm>> -> memref<100000x128xf32, #tpu.memory_space<hbm>>
    tpu.enqueue_indirect_dma source(%dma_start3A_89 : memref<100000x128xf32, #tpu.memory_space<hbm>>) target(%arg11 : memref<128x128xf32, #tpu.memory_space<vmem>>) offsets(%dma_start3A_86 : memref<128xi32, #tpu.memory_space<vmem>>) semaphore(%arg16 : memref<!tpu.dma_semaphore, #tpu.memory_space<semaphore_mem>>)
    %dma_start3A_90 = arith.constant 3 : i32
    %dma_start3A_91 = arith.constant 0 : i32
    %dma_start3A_92 = tpu.memref_slice %arg8[%dma_start3A_90, %dma_start3A_91] : memref<4x128xi32, #tpu.memory_space<vmem>> -> memref<1x128xi32, #tpu.memory_space<vmem>>
    %dma_start3A_93 = tpu.memref_squeeze %dma_start3A_92 : memref<1x128xi32, #tpu.memory_space<vmem>> -> memref<128xi32, #tpu.memory_space<vmem>>
    %dma_start3A_94 = arith.constant 0 : i32
    %dma_start3A_95 = arith.constant 0 : i32
    %dma_start3A_96 = tpu.memref_slice %arg3[%dma_start3A_94, %dma_start3A_95] : memref<100000x128xf32, #tpu.memory_space<hbm>> -> memref<100000x128xf32, #tpu.memory_space<hbm>>
    tpu.enqueue_indirect_dma source(%dma_start3A_96 : memref<100000x128xf32, #tpu.memory_space<hbm>>) target(%arg12 : memref<128x128xf32, #tpu.memory_space<vmem>>) offsets(%dma_start3A_93 : memref<128xi32, #tpu.memory_space<vmem>>) semaphore(%arg17 : memref<!tpu.dma_semaphore, #tpu.memory_space<semaphore_mem>>)
    %dma_wait3A_97 = arith.constant 2 : i32
    %dma_wait3A_98 = arith.constant 0 : i32
    %dma_wait3A_99 = tpu.memref_slice %arg7[%dma_wait3A_97, %dma_wait3A_98] : memref<4x128xi32, #tpu.memory_space<vmem>> -> memref<1x128xi32, #tpu.memory_space<vmem>>
    %dma_wait3A_100 = tpu.memref_squeeze %dma_wait3A_99 : memref<1x128xi32, #tpu.memory_space<vmem>> -> memref<128xi32, #tpu.memory_space<vmem>>
    %dma_wait3A_101 = arith.constant 0 : i32
    %dma_wait3A_102 = arith.constant 0 : i32
    %dma_wait3A_103 = tpu.memref_slice %arg2[%dma_wait3A_101, %dma_wait3A_102] : memref<100000x128xf32, #tpu.memory_space<hbm>> -> memref<100000x128xf32, #tpu.memory_space<hbm>>
    tpu.wait_indirect_dma semaphore(%arg14 : memref<!tpu.dma_semaphore, #tpu.memory_space<semaphore_mem>>) src(%dma_wait3A_103 : memref<100000x128xf32, #tpu.memory_space<hbm>>) dst(%arg9 : memref<128x128xf32, #tpu.memory_space<vmem>>)
    %dma_wait3A_104 = arith.constant 2 : i32
    %dma_wait3A_105 = arith.constant 0 : i32
    %dma_wait3A_106 = tpu.memref_slice %arg8[%dma_wait3A_104, %dma_wait3A_105] : memref<4x128xi32, #tpu.memory_space<vmem>> -> memref<1x128xi32, #tpu.memory_space<vmem>>
    %dma_wait3A_107 = tpu.memref_squeeze %dma_wait3A_106 : memref<1x128xi32, #tpu.memory_space<vmem>> -> memref<128xi32, #tpu.memory_space<vmem>>
    %dma_wait3A_108 = arith.constant 0 : i32
    %dma_wait3A_109 = arith.constant 0 : i32
    %dma_wait3A_110 = tpu.memref_slice %arg3[%dma_wait3A_108, %dma_wait3A_109] : memref<100000x128xf32, #tpu.memory_space<hbm>> -> memref<100000x128xf32, #tpu.memory_space<hbm>>
    tpu.wait_indirect_dma semaphore(%arg15 : memref<!tpu.dma_semaphore, #tpu.memory_space<semaphore_mem>>) src(%dma_wait3A_110 : memref<100000x128xf32, #tpu.memory_space<hbm>>) dst(%arg10 : memref<128x128xf32, #tpu.memory_space<vmem>>)
    %scan3A_111 = arith.constant 0 : i32
    %scan3A_112 = arith.constant 0 : i32
    %scan3A_113 = arith.constant 8 : i32
    %scan3A_114 = arith.addi %scan3A_112, %scan3A_113 : i32
    %scan3A_115 = arith.constant 1 : i32
    scf.for %scan3A_143 = %scan3A_112 to %scan3A_114 step %scan3A_115  : i32 {
      %mul3A_144 = arith.constant 16 : i32
      %mul3A_145 = arith.muli %scan3A_143, %mul3A_144 : i32
      %add3A_146 = vector.broadcast %mul3A_145 : i32 to vector<16xi32>
      %add3A_147 = arith.addi %iota3A, %add3A_146 : vector<16xi32>
      %scan3A_148 = arith.constant 0 : i32
      %scan3A_149 = arith.constant 8 : i32
      %scan3A_150 = arith.addi %scan3A_148, %scan3A_149 : i32
      %scan3A_151 = arith.constant 1 : i32
      %scan3A_152:4 = scf.for %scan3A_162 = %scan3A_148 to %scan3A_150 step %scan3A_151 iter_args(%scan3A_163 = %broadcast_in_dim3A_3, %scan3A_164 = %broadcast_in_dim3A_3, %scan3A_165 = %broadcast_in_dim3A_3, %scan3A_166 = %broadcast_in_dim3A_3) -> (vector<16xf32>, vector<16xf32>, vector<16xf32>, vector<16xf32>)  : i32 {
        %mul3A_167 = arith.constant 16 : i32
        %mul3A_168 = arith.muli %scan3A_162, %mul3A_167 : i32
        %add3A_169 = vector.broadcast %mul3A_168 : i32 to vector<16xi32>
        %add3A_170 = arith.addi %iota3A, %add3A_169 : vector<16xi32>
        %add3A_171 = arith.constant 0 : i32
        %add3A_172 = vector.broadcast %add3A_171 : i32 to vector<16xi32>
        %add3A_173 = arith.addi %add3A_170, %add3A_172 : vector<16xi32>
        %and3A = arith.constant 127 : i32
        %and3A_174 = vector.broadcast %and3A : i32 to vector<16xi32>
        %and3A_175 = arith.andi %add3A_173, %and3A_174 : vector<16xi32>
        %gather3A = tpu.vector_load_idx %arg9[%add3A_147, %and3A_175] : memref<128x128xf32, #tpu.memory_space<vmem>>[vector<16xi32>, vector<16xi32>], vector<16xf32>,
        %gather3A_176 = tpu.vector_load_idx %arg10[%add3A_147, %and3A_175] : memref<128x128xf32, #tpu.memory_space<vmem>>[vector<16xi32>, vector<16xi32>], vector<16xf32>,
        %mul3A_177 = arith.mulf %gather3A, %gather3A_176 : vector<16xf32>
        %add3A_178 = arith.addf %scan3A_163, %mul3A_177 : vector<16xf32>
        %add3A_179 = arith.constant 1 : i32
        %add3A_180 = vector.broadcast %add3A_179 : i32 to vector<16xi32>
        %add3A_181 = arith.addi %add3A_170, %add3A_180 : vector<16xi32>
        %and3A_182 = arith.constant 127 : i32
        %and3A_183 = vector.broadcast %and3A_182 : i32 to vector<16xi32>
        %and3A_184 = arith.andi %add3A_181, %and3A_183 : vector<16xi32>
        %gather3A_185 = tpu.vector_load_idx %arg9[%add3A_147, %and3A_184] : memref<128x128xf32, #tpu.memory_space<vmem>>[vector<16xi32>, vector<16xi32>], vector<16xf32>,
        %gather3A_186 = tpu.vector_load_idx %arg10[%add3A_147, %and3A_184] : memref<128x128xf32, #tpu.memory_space<vmem>>[vector<16xi32>, vector<16xi32>], vector<16xf32>,
        %mul3A_187 = arith.mulf %gather3A_185, %gather3A_186 : vector<16xf32>
        %add3A_188 = arith.addf %scan3A_164, %mul3A_187 : vector<16xf32>
        %add3A_189 = arith.constant 2 : i32
        %add3A_190 = vector.broadcast %add3A_189 : i32 to vector<16xi32>
        %add3A_191 = arith.addi %add3A_170, %add3A_190 : vector<16xi32>
        %and3A_192 = arith.constant 127 : i32
        %and3A_193 = vector.broadcast %and3A_192 : i32 to vector<16xi32>
        %and3A_194 = arith.andi %add3A_191, %and3A_193 : vector<16xi32>
        %gather3A_195 = tpu.vector_load_idx %arg9[%add3A_147, %and3A_194] : memref<128x128xf32, #tpu.memory_space<vmem>>[vector<16xi32>, vector<16xi32>], vector<16xf32>,
        %gather3A_196 = tpu.vector_load_idx %arg10[%add3A_147, %and3A_194] : memref<128x128xf32, #tpu.memory_space<vmem>>[vector<16xi32>, vector<16xi32>], vector<16xf32>,
        %mul3A_197 = arith.mulf %gather3A_195, %gather3A_196 : vector<16xf32>
        %add3A_198 = arith.addf %scan3A_165, %mul3A_197 : vector<16xf32>
        %add3A_199 = arith.constant 3 : i32
        %add3A_200 = vector.broadcast %add3A_199 : i32 to vector<16xi32>
        %add3A_201 = arith.addi %add3A_170, %add3A_200 : vector<16xi32>
        %and3A_202 = arith.constant 127 : i32
        %and3A_203 = vector.broadcast %and3A_202 : i32 to vector<16xi32>
        %and3A_204 = arith.andi %add3A_201, %and3A_203 : vector<16xi32>
        %gather3A_205 = tpu.vector_load_idx %arg9[%add3A_147, %and3A_204] : memref<128x128xf32, #tpu.memory_space<vmem>>[vector<16xi32>, vector<16xi32>], vector<16xf32>,
        %gather3A_206 = tpu.vector_load_idx %arg10[%add3A_147, %and3A_204] : memref<128x128xf32, #tpu.memory_space<vmem>>[vector<16xi32>, vector<16xi32>], vector<16xf32>,
        %mul3A_207 = arith.mulf %gather3A_205, %gather3A_206 : vector<16xf32>
        %add3A_208 = arith.addf %scan3A_166, %mul3A_207 : vector<16xf32>
        %add3A_209 = arith.constant 4 : i32
        %add3A_210 = vector.broadcast %add3A_209 : i32 to vector<16xi32>
        %add3A_211 = arith.addi %add3A_170, %add3A_210 : vector<16xi32>
        %and3A_212 = arith.constant 127 : i32
        %and3A_213 = vector.broadcast %and3A_212 : i32 to vector<16xi32>
        %and3A_214 = arith.andi %add3A_211, %and3A_213 : vector<16xi32>
        %gather3A_215 = tpu.vector_load_idx %arg9[%add3A_147, %and3A_214] : memref<128x128xf32, #tpu.memory_space<vmem>>[vector<16xi32>, vector<16xi32>], vector<16xf32>,
        %gather3A_216 = tpu.vector_load_idx %arg10[%add3A_147, %and3A_214] : memref<128x128xf32, #tpu.memory_space<vmem>>[vector<16xi32>, vector<16xi32>], vector<16xf32>,
        %mul3A_217 = arith.mulf %gather3A_215, %gather3A_216 : vector<16xf32>
        %add3A_218 = arith.addf %add3A_178, %mul3A_217 : vector<16xf32>
        %add3A_219 = arith.constant 5 : i32
        %add3A_220 = vector.broadcast %add3A_219 : i32 to vector<16xi32>
        %add3A_221 = arith.addi %add3A_170, %add3A_220 : vector<16xi32>
        %and3A_222 = arith.constant 127 : i32
        %and3A_223 = vector.broadcast %and3A_222 : i32 to vector<16xi32>
        %and3A_224 = arith.andi %add3A_221, %and3A_223 : vector<16xi32>
        %gather3A_225 = tpu.vector_load_idx %arg9[%add3A_147, %and3A_224] : memref<128x128xf32, #tpu.memory_space<vmem>>[vector<16xi32>, vector<16xi32>], vector<16xf32>,
        %gather3A_226 = tpu.vector_load_idx %arg10[%add3A_147, %and3A_224] : memref<128x128xf32, #tpu.memory_space<vmem>>[vector<16xi32>, vector<16xi32>], vector<16xf32>,
        %mul3A_227 = arith.mulf %gather3A_225, %gather3A_226 : vector<16xf32>
        %add3A_228 = arith.addf %add3A_188, %mul3A_227 : vector<16xf32>
        %add3A_229 = arith.constant 6 : i32
        %add3A_230 = vector.broadcast %add3A_229 : i32 to vector<16xi32>
        %add3A_231 = arith.addi %add3A_170, %add3A_230 : vector<16xi32>
        %and3A_232 = arith.constant 127 : i32
        %and3A_233 = vector.broadcast %and3A_232 : i32 to vector<16xi32>
        %and3A_234 = arith.andi %add3A_231, %and3A_233 : vector<16xi32>
        %gather3A_235 = tpu.vector_load_idx %arg9[%add3A_147, %and3A_234] : memref<128x128xf32, #tpu.memory_space<vmem>>[vector<16xi32>, vector<16xi32>], vector<16xf32>,
        %gather3A_236 = tpu.vector_load_idx %arg10[%add3A_147, %and3A_234] : memref<128x128xf32, #tpu.memory_space<vmem>>[vector<16xi32>, vector<16xi32>], vector<16xf32>,
        %mul3A_237 = arith.mulf %gather3A_235, %gather3A_236 : vector<16xf32>
        %add3A_238 = arith.addf %add3A_198, %mul3A_237 : vector<16xf32>
        %add3A_239 = arith.constant 7 : i32
        %add3A_240 = vector.broadcast %add3A_239 : i32 to vector<16xi32>
        %add3A_241 = arith.addi %add3A_170, %add3A_240 : vector<16xi32>
        %and3A_242 = arith.constant 127 : i32
        %and3A_243 = vector.broadcast %and3A_242 : i32 to vector<16xi32>
        %and3A_244 = arith.andi %add3A_241, %and3A_243 : vector<16xi32>
        %gather3A_245 = tpu.vector_load_idx %arg9[%add3A_147, %and3A_244] : memref<128x128xf32, #tpu.memory_space<vmem>>[vector<16xi32>, vector<16xi32>], vector<16xf32>,
        %gather3A_246 = tpu.vector_load_idx %arg10[%add3A_147, %and3A_244] : memref<128x128xf32, #tpu.memory_space<vmem>>[vector<16xi32>, vector<16xi32>], vector<16xf32>,
        %mul3A_247 = arith.mulf %gather3A_245, %gather3A_246 : vector<16xf32>
        %add3A_248 = arith.addf %add3A_208, %mul3A_247 : vector<16xf32>
        %add3A_249 = arith.constant 8 : i32
        %add3A_250 = vector.broadcast %add3A_249 : i32 to vector<16xi32>
        %add3A_251 = arith.addi %add3A_170, %add3A_250 : vector<16xi32>
        %and3A_252 = arith.constant 127 : i32
        %and3A_253 = vector.broadcast %and3A_252 : i32 to vector<16xi32>
        %and3A_254 = arith.andi %add3A_251, %and3A_253 : vector<16xi32>
        %gather3A_255 = tpu.vector_load_idx %arg9[%add3A_147, %and3A_254] : memref<128x128xf32, #tpu.memory_space<vmem>>[vector<16xi32>, vector<16xi32>], vector<16xf32>,
        %gather3A_256 = tpu.vector_load_idx %arg10[%add3A_147, %and3A_254] : memref<128x128xf32, #tpu.memory_space<vmem>>[vector<16xi32>, vector<16xi32>], vector<16xf32>,
        %mul3A_257 = arith.mulf %gather3A_255, %gather3A_256 : vector<16xf32>
        %add3A_258 = arith.addf %add3A_218, %mul3A_257 : vector<16xf32>
        %add3A_259 = arith.constant 9 : i32
        %add3A_260 = vector.broadcast %add3A_259 : i32 to vector<16xi32>
        %add3A_261 = arith.addi %add3A_170, %add3A_260 : vector<16xi32>
        %and3A_262 = arith.constant 127 : i32
        %and3A_263 = vector.broadcast %and3A_262 : i32 to vector<16xi32>
        %and3A_264 = arith.andi %add3A_261, %and3A_263 : vector<16xi32>
        %gather3A_265 = tpu.vector_load_idx %arg9[%add3A_147, %and3A_264] : memref<128x128xf32, #tpu.memory_space<vmem>>[vector<16xi32>, vector<16xi32>], vector<16xf32>,
        %gather3A_266 = tpu.vector_load_idx %arg10[%add3A_147, %and3A_264] : memref<128x128xf32, #tpu.memory_space<vmem>>[vector<16xi32>, vector<16xi32>], vector<16xf32>,
        %mul3A_267 = arith.mulf %gather3A_265, %gather3A_266 : vector<16xf32>
        %add3A_268 = arith.addf %add3A_228, %mul3A_267 : vector<16xf32>
        %add3A_269 = arith.constant 10 : i32
        %add3A_270 = vector.broadcast %add3A_269 : i32 to vector<16xi32>
        %add3A_271 = arith.addi %add3A_170, %add3A_270 : vector<16xi32>
        %and3A_272 = arith.constant 127 : i32
        %and3A_273 = vector.broadcast %and3A_272 : i32 to vector<16xi32>
        %and3A_274 = arith.andi %add3A_271, %and3A_273 : vector<16xi32>
        %gather3A_275 = tpu.vector_load_idx %arg9[%add3A_147, %and3A_274] : memref<128x128xf32, #tpu.memory_space<vmem>>[vector<16xi32>, vector<16xi32>], vector<16xf32>,
        %gather3A_276 = tpu.vector_load_idx %arg10[%add3A_147, %and3A_274] : memref<128x128xf32, #tpu.memory_space<vmem>>[vector<16xi32>, vector<16xi32>], vector<16xf32>,
        %mul3A_277 = arith.mulf %gather3A_275, %gather3A_276 : vector<16xf32>
        %add3A_278 = arith.addf %add3A_238, %mul3A_277 : vector<16xf32>
        %add3A_279 = arith.constant 11 : i32
        %add3A_280 = vector.broadcast %add3A_279 : i32 to vector<16xi32>
        %add3A_281 = arith.addi %add3A_170, %add3A_280 : vector<16xi32>
        %and3A_282 = arith.constant 127 : i32
        %and3A_283 = vector.broadcast %and3A_282 : i32 to vector<16xi32>
        %and3A_284 = arith.andi %add3A_281, %and3A_283 : vector<16xi32>
        %gather3A_285 = tpu.vector_load_idx %arg9[%add3A_147, %and3A_284] : memref<128x128xf32, #tpu.memory_space<vmem>>[vector<16xi32>, vector<16xi32>], vector<16xf32>,
        %gather3A_286 = tpu.vector_load_idx %arg10[%add3A_147, %and3A_284] : memref<128x128xf32, #tpu.memory_space<vmem>>[vector<16xi32>, vector<16xi32>], vector<16xf32>,
        %mul3A_287 = arith.mulf %gather3A_285, %gather3A_286 : vector<16xf32>
        %add3A_288 = arith.addf %add3A_248, %mul3A_287 : vector<16xf32>
        %add3A_289 = arith.constant 12 : i32
        %add3A_290 = vector.broadcast %add3A_289 : i32 to vector<16xi32>
        %add3A_291 = arith.addi %add3A_170, %add3A_290 : vector<16xi32>
        %and3A_292 = arith.constant 127 : i32
        %and3A_293 = vector.broadcast %and3A_292 : i32 to vector<16xi32>
        %and3A_294 = arith.andi %add3A_291, %and3A_293 : vector<16xi32>
        %gather3A_295 = tpu.vector_load_idx %arg9[%add3A_147, %and3A_294] : memref<128x128xf32, #tpu.memory_space<vmem>>[vector<16xi32>, vector<16xi32>], vector<16xf32>,
        %gather3A_296 = tpu.vector_load_idx %arg10[%add3A_147, %and3A_294] : memref<128x128xf32, #tpu.memory_space<vmem>>[vector<16xi32>, vector<16xi32>], vector<16xf32>,
        %mul3A_297 = arith.mulf %gather3A_295, %gather3A_296 : vector<16xf32>
        %add3A_298 = arith.addf %add3A_258, %mul3A_297 : vector<16xf32>
        %add3A_299 = arith.constant 13 : i32
        %add3A_300 = vector.broadcast %add3A_299 : i32 to vector<16xi32>
        %add3A_301 = arith.addi %add3A_170, %add3A_300 : vector<16xi32>
        %and3A_302 = arith.constant 127 : i32
        %and3A_303 = vector.broadcast %and3A_302 : i32 to vector<16xi32>
        %and3A_304 = arith.andi %add3A_301, %and3A_303 : vector<16xi32>
        %gather3A_305 = tpu.vector_load_idx %arg9[%add3A_147, %and3A_304] : memref<128x128xf32, #tpu.memory_space<vmem>>[vector<16xi32>, vector<16xi32>], vector<16xf32>,
        %gather3A_306 = tpu.vector_load_idx %arg10[%add3A_147, %and3A_304] : memref<128x128xf32, #tpu.memory_space<vmem>>[vector<16xi32>, vector<16xi32>], vector<16xf32>,
        %mul3A_307 = arith.mulf %gather3A_305, %gather3A_306 : vector<16xf32>
        %add3A_308 = arith.addf %add3A_268, %mul3A_307 : vector<16xf32>
        %add3A_309 = arith.constant 14 : i32
        %add3A_310 = vector.broadcast %add3A_309 : i32 to vector<16xi32>
        %add3A_311 = arith.addi %add3A_170, %add3A_310 : vector<16xi32>
        %and3A_312 = arith.constant 127 : i32
        %and3A_313 = vector.broadcast %and3A_312 : i32 to vector<16xi32>
        %and3A_314 = arith.andi %add3A_311, %and3A_313 : vector<16xi32>
        %gather3A_315 = tpu.vector_load_idx %arg9[%add3A_147, %and3A_314] : memref<128x128xf32, #tpu.memory_space<vmem>>[vector<16xi32>, vector<16xi32>], vector<16xf32>,
        %gather3A_316 = tpu.vector_load_idx %arg10[%add3A_147, %and3A_314] : memref<128x128xf32, #tpu.memory_space<vmem>>[vector<16xi32>, vector<16xi32>], vector<16xf32>,
        %mul3A_317 = arith.mulf %gather3A_315, %gather3A_316 : vector<16xf32>
        %add3A_318 = arith.addf %add3A_278, %mul3A_317 : vector<16xf32>
        %add3A_319 = arith.constant 15 : i32
        %add3A_320 = vector.broadcast %add3A_319 : i32 to vector<16xi32>
        %add3A_321 = arith.addi %add3A_170, %add3A_320 : vector<16xi32>
        %and3A_322 = arith.constant 127 : i32
        %and3A_323 = vector.broadcast %and3A_322 : i32 to vector<16xi32>
        %and3A_324 = arith.andi %add3A_321, %and3A_323 : vector<16xi32>
        %gather3A_325 = tpu.vector_load_idx %arg9[%add3A_147, %and3A_324] : memref<128x128xf32, #tpu.memory_space<vmem>>[vector<16xi32>, vector<16xi32>], vector<16xf32>,
        %gather3A_326 = tpu.vector_load_idx %arg10[%add3A_147, %and3A_324] : memref<128x128xf32, #tpu.memory_space<vmem>>[vector<16xi32>, vector<16xi32>], vector<16xf32>,
        %mul3A_327 = arith.mulf %gather3A_325, %gather3A_326 : vector<16xf32>
        %add3A_328 = arith.addf %add3A_288, %mul3A_327 : vector<16xf32>
        scf.yield %add3A_298, %add3A_308, %add3A_318, %add3A_328 : vector<16xf32>, vector<16xf32>, vector<16xf32>, vector<16xf32>
      }
      %scan3A_153 = arith.constant 8 : i32
      %add3A_154 = arith.addf %scan3A_152#0, %scan3A_152#1 : vector<16xf32>
      %add3A_155 = arith.addf %scan3A_152#2, %scan3A_152#3 : vector<16xf32>
      %add3A_156 = arith.addf %add3A_154, %add3A_155 : vector<16xf32>
      %mul3A_157 = arith.constant 16 : i32
      %mul3A_158 = arith.muli %scan3A_143, %mul3A_157 : i32
      %add3A_159 = arith.constant 256 : i32
      %add3A_160 = arith.addi %add3A_159, %mul3A_158 : i32
      %swap3A = arith.index_cast %add3A_160 : i32 to index
      %swap3A_161 = tpu.vector_load %arg13[%swap3A] {strides = array<i32>} : memref<512xf32, #tpu.memory_space<vmem>>, vector<16xf32>,
      tpu.vector_store %arg13[%swap3A], %add3A_156 {strides = array<i32>} : memref<512xf32, #tpu.memory_space<vmem>>, vector<16xf32>,
    }
    %scan3A_116 = arith.constant 8 : i32
    %dma_wait3A_117 = arith.constant 3 : i32
    %dma_wait3A_118 = arith.constant 0 : i32
    %dma_wait3A_119 = tpu.memref_slice %arg7[%dma_wait3A_117, %dma_wait3A_118] : memref<4x128xi32, #tpu.memory_space<vmem>> -> memref<1x128xi32, #tpu.memory_space<vmem>>
    %dma_wait3A_120 = tpu.memref_squeeze %dma_wait3A_119 : memref<1x128xi32, #tpu.memory_space<vmem>> -> memref<128xi32, #tpu.memory_space<vmem>>
    %dma_wait3A_121 = arith.constant 0 : i32
    %dma_wait3A_122 = arith.constant 0 : i32
    %dma_wait3A_123 = tpu.memref_slice %arg2[%dma_wait3A_121, %dma_wait3A_122] : memref<100000x128xf32, #tpu.memory_space<hbm>> -> memref<100000x128xf32, #tpu.memory_space<hbm>>
    tpu.wait_indirect_dma semaphore(%arg16 : memref<!tpu.dma_semaphore, #tpu.memory_space<semaphore_mem>>) src(%dma_wait3A_123 : memref<100000x128xf32, #tpu.memory_space<hbm>>) dst(%arg11 : memref<128x128xf32, #tpu.memory_space<vmem>>)
    %dma_wait3A_124 = arith.constant 3 : i32
    %dma_wait3A_125 = arith.constant 0 : i32
    %dma_wait3A_126 = tpu.memref_slice %arg8[%dma_wait3A_124, %dma_wait3A_125] : memref<4x128xi32, #tpu.memory_space<vmem>> -> memref<1x128xi32, #tpu.memory_space<vmem>>
    %dma_wait3A_127 = tpu.memref_squeeze %dma_wait3A_126 : memref<1x128xi32, #tpu.memory_space<vmem>> -> memref<128xi32, #tpu.memory_space<vmem>>
    %dma_wait3A_128 = arith.constant 0 : i32
    %dma_wait3A_129 = arith.constant 0 : i32
    %dma_wait3A_130 = tpu.memref_slice %arg3[%dma_wait3A_128, %dma_wait3A_129] : memref<100000x128xf32, #tpu.memory_space<hbm>> -> memref<100000x128xf32, #tpu.memory_space<hbm>>
    tpu.wait_indirect_dma semaphore(%arg17 : memref<!tpu.dma_semaphore, #tpu.memory_space<semaphore_mem>>) src(%dma_wait3A_130 : memref<100000x128xf32, #tpu.memory_space<hbm>>) dst(%arg12 : memref<128x128xf32, #tpu.memory_space<vmem>>)
    %scan3A_131 = arith.constant 0 : i32
    %scan3A_132 = arith.constant 0 : i32
    %scan3A_133 = arith.constant 8 : i32
    %scan3A_134 = arith.addi %scan3A_132, %scan3A_133 : i32
    %scan3A_135 = arith.constant 1 : i32
    scf.for %scan3A_143 = %scan3A_132 to %scan3A_134 step %scan3A_135  : i32 {
      %mul3A_144 = arith.constant 16 : i32
      %mul3A_145 = arith.muli %scan3A_143, %mul3A_144 : i32
      %add3A_146 = vector.broadcast %mul3A_145 : i32 to vector<16xi32>
      %add3A_147 = arith.addi %iota3A, %add3A_146 : vector<16xi32>
      %scan3A_148 = arith.constant 0 : i32
      %scan3A_149 = arith.constant 8 : i32
      %scan3A_150 = arith.addi %scan3A_148, %scan3A_149 : i32
      %scan3A_151 = arith.constant 1 : i32
      %scan3A_152:4 = scf.for %scan3A_162 = %scan3A_148 to %scan3A_150 step %scan3A_151 iter_args(%scan3A_163 = %broadcast_in_dim3A_3, %scan3A_164 = %broadcast_in_dim3A_3, %scan3A_165 = %broadcast_in_dim3A_3, %scan3A_166 = %broadcast_in_dim3A_3) -> (vector<16xf32>, vector<16xf32>, vector<16xf32>, vector<16xf32>)  : i32 {
        %mul3A_167 = arith.constant 16 : i32
        %mul3A_168 = arith.muli %scan3A_162, %mul3A_167 : i32
        %add3A_169 = vector.broadcast %mul3A_168 : i32 to vector<16xi32>
        %add3A_170 = arith.addi %iota3A, %add3A_169 : vector<16xi32>
        %add3A_171 = arith.constant 0 : i32
        %add3A_172 = vector.broadcast %add3A_171 : i32 to vector<16xi32>
        %add3A_173 = arith.addi %add3A_170, %add3A_172 : vector<16xi32>
        %and3A = arith.constant 127 : i32
        %and3A_174 = vector.broadcast %and3A : i32 to vector<16xi32>
        %and3A_175 = arith.andi %add3A_173, %and3A_174 : vector<16xi32>
        %gather3A = tpu.vector_load_idx %arg11[%add3A_147, %and3A_175] : memref<128x128xf32, #tpu.memory_space<vmem>>[vector<16xi32>, vector<16xi32>], vector<16xf32>,
        %gather3A_176 = tpu.vector_load_idx %arg12[%add3A_147, %and3A_175] : memref<128x128xf32, #tpu.memory_space<vmem>>[vector<16xi32>, vector<16xi32>], vector<16xf32>,
        %mul3A_177 = arith.mulf %gather3A, %gather3A_176 : vector<16xf32>
        %add3A_178 = arith.addf %scan3A_163, %mul3A_177 : vector<16xf32>
        %add3A_179 = arith.constant 1 : i32
        %add3A_180 = vector.broadcast %add3A_179 : i32 to vector<16xi32>
        %add3A_181 = arith.addi %add3A_170, %add3A_180 : vector<16xi32>
        %and3A_182 = arith.constant 127 : i32
        %and3A_183 = vector.broadcast %and3A_182 : i32 to vector<16xi32>
        %and3A_184 = arith.andi %add3A_181, %and3A_183 : vector<16xi32>
        %gather3A_185 = tpu.vector_load_idx %arg11[%add3A_147, %and3A_184] : memref<128x128xf32, #tpu.memory_space<vmem>>[vector<16xi32>, vector<16xi32>], vector<16xf32>,
        %gather3A_186 = tpu.vector_load_idx %arg12[%add3A_147, %and3A_184] : memref<128x128xf32, #tpu.memory_space<vmem>>[vector<16xi32>, vector<16xi32>], vector<16xf32>,
        %mul3A_187 = arith.mulf %gather3A_185, %gather3A_186 : vector<16xf32>
        %add3A_188 = arith.addf %scan3A_164, %mul3A_187 : vector<16xf32>
        %add3A_189 = arith.constant 2 : i32
        %add3A_190 = vector.broadcast %add3A_189 : i32 to vector<16xi32>
        %add3A_191 = arith.addi %add3A_170, %add3A_190 : vector<16xi32>
        %and3A_192 = arith.constant 127 : i32
        %and3A_193 = vector.broadcast %and3A_192 : i32 to vector<16xi32>
        %and3A_194 = arith.andi %add3A_191, %and3A_193 : vector<16xi32>
        %gather3A_195 = tpu.vector_load_idx %arg11[%add3A_147, %and3A_194] : memref<128x128xf32, #tpu.memory_space<vmem>>[vector<16xi32>, vector<16xi32>], vector<16xf32>,
        %gather3A_196 = tpu.vector_load_idx %arg12[%add3A_147, %and3A_194] : memref<128x128xf32, #tpu.memory_space<vmem>>[vector<16xi32>, vector<16xi32>], vector<16xf32>,
        %mul3A_197 = arith.mulf %gather3A_195, %gather3A_196 : vector<16xf32>
        %add3A_198 = arith.addf %scan3A_165, %mul3A_197 : vector<16xf32>
        %add3A_199 = arith.constant 3 : i32
        %add3A_200 = vector.broadcast %add3A_199 : i32 to vector<16xi32>
        %add3A_201 = arith.addi %add3A_170, %add3A_200 : vector<16xi32>
        %and3A_202 = arith.constant 127 : i32
        %and3A_203 = vector.broadcast %and3A_202 : i32 to vector<16xi32>
        %and3A_204 = arith.andi %add3A_201, %and3A_203 : vector<16xi32>
        %gather3A_205 = tpu.vector_load_idx %arg11[%add3A_147, %and3A_204] : memref<128x128xf32, #tpu.memory_space<vmem>>[vector<16xi32>, vector<16xi32>], vector<16xf32>,
        %gather3A_206 = tpu.vector_load_idx %arg12[%add3A_147, %and3A_204] : memref<128x128xf32, #tpu.memory_space<vmem>>[vector<16xi32>, vector<16xi32>], vector<16xf32>,
        %mul3A_207 = arith.mulf %gather3A_205, %gather3A_206 : vector<16xf32>
        %add3A_208 = arith.addf %scan3A_166, %mul3A_207 : vector<16xf32>
        %add3A_209 = arith.constant 4 : i32
        %add3A_210 = vector.broadcast %add3A_209 : i32 to vector<16xi32>
        %add3A_211 = arith.addi %add3A_170, %add3A_210 : vector<16xi32>
        %and3A_212 = arith.constant 127 : i32
        %and3A_213 = vector.broadcast %and3A_212 : i32 to vector<16xi32>
        %and3A_214 = arith.andi %add3A_211, %and3A_213 : vector<16xi32>
        %gather3A_215 = tpu.vector_load_idx %arg11[%add3A_147, %and3A_214] : memref<128x128xf32, #tpu.memory_space<vmem>>[vector<16xi32>, vector<16xi32>], vector<16xf32>,
        %gather3A_216 = tpu.vector_load_idx %arg12[%add3A_147, %and3A_214] : memref<128x128xf32, #tpu.memory_space<vmem>>[vector<16xi32>, vector<16xi32>], vector<16xf32>,
        %mul3A_217 = arith.mulf %gather3A_215, %gather3A_216 : vector<16xf32>
        %add3A_218 = arith.addf %add3A_178, %mul3A_217 : vector<16xf32>
        %add3A_219 = arith.constant 5 : i32
        %add3A_220 = vector.broadcast %add3A_219 : i32 to vector<16xi32>
        %add3A_221 = arith.addi %add3A_170, %add3A_220 : vector<16xi32>
        %and3A_222 = arith.constant 127 : i32
        %and3A_223 = vector.broadcast %and3A_222 : i32 to vector<16xi32>
        %and3A_224 = arith.andi %add3A_221, %and3A_223 : vector<16xi32>
        %gather3A_225 = tpu.vector_load_idx %arg11[%add3A_147, %and3A_224] : memref<128x128xf32, #tpu.memory_space<vmem>>[vector<16xi32>, vector<16xi32>], vector<16xf32>,
        %gather3A_226 = tpu.vector_load_idx %arg12[%add3A_147, %and3A_224] : memref<128x128xf32, #tpu.memory_space<vmem>>[vector<16xi32>, vector<16xi32>], vector<16xf32>,
        %mul3A_227 = arith.mulf %gather3A_225, %gather3A_226 : vector<16xf32>
        %add3A_228 = arith.addf %add3A_188, %mul3A_227 : vector<16xf32>
        %add3A_229 = arith.constant 6 : i32
        %add3A_230 = vector.broadcast %add3A_229 : i32 to vector<16xi32>
        %add3A_231 = arith.addi %add3A_170, %add3A_230 : vector<16xi32>
        %and3A_232 = arith.constant 127 : i32
        %and3A_233 = vector.broadcast %and3A_232 : i32 to vector<16xi32>
        %and3A_234 = arith.andi %add3A_231, %and3A_233 : vector<16xi32>
        %gather3A_235 = tpu.vector_load_idx %arg11[%add3A_147, %and3A_234] : memref<128x128xf32, #tpu.memory_space<vmem>>[vector<16xi32>, vector<16xi32>], vector<16xf32>,
        %gather3A_236 = tpu.vector_load_idx %arg12[%add3A_147, %and3A_234] : memref<128x128xf32, #tpu.memory_space<vmem>>[vector<16xi32>, vector<16xi32>], vector<16xf32>,
        %mul3A_237 = arith.mulf %gather3A_235, %gather3A_236 : vector<16xf32>
        %add3A_238 = arith.addf %add3A_198, %mul3A_237 : vector<16xf32>
        %add3A_239 = arith.constant 7 : i32
        %add3A_240 = vector.broadcast %add3A_239 : i32 to vector<16xi32>
        %add3A_241 = arith.addi %add3A_170, %add3A_240 : vector<16xi32>
        %and3A_242 = arith.constant 127 : i32
        %and3A_243 = vector.broadcast %and3A_242 : i32 to vector<16xi32>
        %and3A_244 = arith.andi %add3A_241, %and3A_243 : vector<16xi32>
        %gather3A_245 = tpu.vector_load_idx %arg11[%add3A_147, %and3A_244] : memref<128x128xf32, #tpu.memory_space<vmem>>[vector<16xi32>, vector<16xi32>], vector<16xf32>,
        %gather3A_246 = tpu.vector_load_idx %arg12[%add3A_147, %and3A_244] : memref<128x128xf32, #tpu.memory_space<vmem>>[vector<16xi32>, vector<16xi32>], vector<16xf32>,
        %mul3A_247 = arith.mulf %gather3A_245, %gather3A_246 : vector<16xf32>
        %add3A_248 = arith.addf %add3A_208, %mul3A_247 : vector<16xf32>
        %add3A_249 = arith.constant 8 : i32
        %add3A_250 = vector.broadcast %add3A_249 : i32 to vector<16xi32>
        %add3A_251 = arith.addi %add3A_170, %add3A_250 : vector<16xi32>
        %and3A_252 = arith.constant 127 : i32
        %and3A_253 = vector.broadcast %and3A_252 : i32 to vector<16xi32>
        %and3A_254 = arith.andi %add3A_251, %and3A_253 : vector<16xi32>
        %gather3A_255 = tpu.vector_load_idx %arg11[%add3A_147, %and3A_254] : memref<128x128xf32, #tpu.memory_space<vmem>>[vector<16xi32>, vector<16xi32>], vector<16xf32>,
        %gather3A_256 = tpu.vector_load_idx %arg12[%add3A_147, %and3A_254] : memref<128x128xf32, #tpu.memory_space<vmem>>[vector<16xi32>, vector<16xi32>], vector<16xf32>,
        %mul3A_257 = arith.mulf %gather3A_255, %gather3A_256 : vector<16xf32>
        %add3A_258 = arith.addf %add3A_218, %mul3A_257 : vector<16xf32>
        %add3A_259 = arith.constant 9 : i32
        %add3A_260 = vector.broadcast %add3A_259 : i32 to vector<16xi32>
        %add3A_261 = arith.addi %add3A_170, %add3A_260 : vector<16xi32>
        %and3A_262 = arith.constant 127 : i32
        %and3A_263 = vector.broadcast %and3A_262 : i32 to vector<16xi32>
        %and3A_264 = arith.andi %add3A_261, %and3A_263 : vector<16xi32>
        %gather3A_265 = tpu.vector_load_idx %arg11[%add3A_147, %and3A_264] : memref<128x128xf32, #tpu.memory_space<vmem>>[vector<16xi32>, vector<16xi32>], vector<16xf32>,
        %gather3A_266 = tpu.vector_load_idx %arg12[%add3A_147, %and3A_264] : memref<128x128xf32, #tpu.memory_space<vmem>>[vector<16xi32>, vector<16xi32>], vector<16xf32>,
        %mul3A_267 = arith.mulf %gather3A_265, %gather3A_266 : vector<16xf32>
        %add3A_268 = arith.addf %add3A_228, %mul3A_267 : vector<16xf32>
        %add3A_269 = arith.constant 10 : i32
        %add3A_270 = vector.broadcast %add3A_269 : i32 to vector<16xi32>
        %add3A_271 = arith.addi %add3A_170, %add3A_270 : vector<16xi32>
        %and3A_272 = arith.constant 127 : i32
        %and3A_273 = vector.broadcast %and3A_272 : i32 to vector<16xi32>
        %and3A_274 = arith.andi %add3A_271, %and3A_273 : vector<16xi32>
        %gather3A_275 = tpu.vector_load_idx %arg11[%add3A_147, %and3A_274] : memref<128x128xf32, #tpu.memory_space<vmem>>[vector<16xi32>, vector<16xi32>], vector<16xf32>,
        %gather3A_276 = tpu.vector_load_idx %arg12[%add3A_147, %and3A_274] : memref<128x128xf32, #tpu.memory_space<vmem>>[vector<16xi32>, vector<16xi32>], vector<16xf32>,
        %mul3A_277 = arith.mulf %gather3A_275, %gather3A_276 : vector<16xf32>
        %add3A_278 = arith.addf %add3A_238, %mul3A_277 : vector<16xf32>
        %add3A_279 = arith.constant 11 : i32
        %add3A_280 = vector.broadcast %add3A_279 : i32 to vector<16xi32>
        %add3A_281 = arith.addi %add3A_170, %add3A_280 : vector<16xi32>
        %and3A_282 = arith.constant 127 : i32
        %and3A_283 = vector.broadcast %and3A_282 : i32 to vector<16xi32>
        %and3A_284 = arith.andi %add3A_281, %and3A_283 : vector<16xi32>
        %gather3A_285 = tpu.vector_load_idx %arg11[%add3A_147, %and3A_284] : memref<128x128xf32, #tpu.memory_space<vmem>>[vector<16xi32>, vector<16xi32>], vector<16xf32>,
        %gather3A_286 = tpu.vector_load_idx %arg12[%add3A_147, %and3A_284] : memref<128x128xf32, #tpu.memory_space<vmem>>[vector<16xi32>, vector<16xi32>], vector<16xf32>,
        %mul3A_287 = arith.mulf %gather3A_285, %gather3A_286 : vector<16xf32>
        %add3A_288 = arith.addf %add3A_248, %mul3A_287 : vector<16xf32>
        %add3A_289 = arith.constant 12 : i32
        %add3A_290 = vector.broadcast %add3A_289 : i32 to vector<16xi32>
        %add3A_291 = arith.addi %add3A_170, %add3A_290 : vector<16xi32>
        %and3A_292 = arith.constant 127 : i32
        %and3A_293 = vector.broadcast %and3A_292 : i32 to vector<16xi32>
        %and3A_294 = arith.andi %add3A_291, %and3A_293 : vector<16xi32>
        %gather3A_295 = tpu.vector_load_idx %arg11[%add3A_147, %and3A_294] : memref<128x128xf32, #tpu.memory_space<vmem>>[vector<16xi32>, vector<16xi32>], vector<16xf32>,
        %gather3A_296 = tpu.vector_load_idx %arg12[%add3A_147, %and3A_294] : memref<128x128xf32, #tpu.memory_space<vmem>>[vector<16xi32>, vector<16xi32>], vector<16xf32>,
        %mul3A_297 = arith.mulf %gather3A_295, %gather3A_296 : vector<16xf32>
        %add3A_298 = arith.addf %add3A_258, %mul3A_297 : vector<16xf32>
        %add3A_299 = arith.constant 13 : i32
        %add3A_300 = vector.broadcast %add3A_299 : i32 to vector<16xi32>
        %add3A_301 = arith.addi %add3A_170, %add3A_300 : vector<16xi32>
        %and3A_302 = arith.constant 127 : i32
        %and3A_303 = vector.broadcast %and3A_302 : i32 to vector<16xi32>
        %and3A_304 = arith.andi %add3A_301, %and3A_303 : vector<16xi32>
        %gather3A_305 = tpu.vector_load_idx %arg11[%add3A_147, %and3A_304] : memref<128x128xf32, #tpu.memory_space<vmem>>[vector<16xi32>, vector<16xi32>], vector<16xf32>,
        %gather3A_306 = tpu.vector_load_idx %arg12[%add3A_147, %and3A_304] : memref<128x128xf32, #tpu.memory_space<vmem>>[vector<16xi32>, vector<16xi32>], vector<16xf32>,
        %mul3A_307 = arith.mulf %gather3A_305, %gather3A_306 : vector<16xf32>
        %add3A_308 = arith.addf %add3A_268, %mul3A_307 : vector<16xf32>
        %add3A_309 = arith.constant 14 : i32
        %add3A_310 = vector.broadcast %add3A_309 : i32 to vector<16xi32>
        %add3A_311 = arith.addi %add3A_170, %add3A_310 : vector<16xi32>
        %and3A_312 = arith.constant 127 : i32
        %and3A_313 = vector.broadcast %and3A_312 : i32 to vector<16xi32>
        %and3A_314 = arith.andi %add3A_311, %and3A_313 : vector<16xi32>
        %gather3A_315 = tpu.vector_load_idx %arg11[%add3A_147, %and3A_314] : memref<128x128xf32, #tpu.memory_space<vmem>>[vector<16xi32>, vector<16xi32>], vector<16xf32>,
        %gather3A_316 = tpu.vector_load_idx %arg12[%add3A_147, %and3A_314] : memref<128x128xf32, #tpu.memory_space<vmem>>[vector<16xi32>, vector<16xi32>], vector<16xf32>,
        %mul3A_317 = arith.mulf %gather3A_315, %gather3A_316 : vector<16xf32>
        %add3A_318 = arith.addf %add3A_278, %mul3A_317 : vector<16xf32>
        %add3A_319 = arith.constant 15 : i32
        %add3A_320 = vector.broadcast %add3A_319 : i32 to vector<16xi32>
        %add3A_321 = arith.addi %add3A_170, %add3A_320 : vector<16xi32>
        %and3A_322 = arith.constant 127 : i32
        %and3A_323 = vector.broadcast %and3A_322 : i32 to vector<16xi32>
        %and3A_324 = arith.andi %add3A_321, %and3A_323 : vector<16xi32>
        %gather3A_325 = tpu.vector_load_idx %arg11[%add3A_147, %and3A_324] : memref<128x128xf32, #tpu.memory_space<vmem>>[vector<16xi32>, vector<16xi32>], vector<16xf32>,
        %gather3A_326 = tpu.vector_load_idx %arg12[%add3A_147, %and3A_324] : memref<128x128xf32, #tpu.memory_space<vmem>>[vector<16xi32>, vector<16xi32>], vector<16xf32>,
        %mul3A_327 = arith.mulf %gather3A_325, %gather3A_326 : vector<16xf32>
        %add3A_328 = arith.addf %add3A_288, %mul3A_327 : vector<16xf32>
        scf.yield %add3A_298, %add3A_308, %add3A_318, %add3A_328 : vector<16xf32>, vector<16xf32>, vector<16xf32>, vector<16xf32>
      }
      %scan3A_153 = arith.constant 8 : i32
      %add3A_154 = arith.addf %scan3A_152#0, %scan3A_152#1 : vector<16xf32>
      %add3A_155 = arith.addf %scan3A_152#2, %scan3A_152#3 : vector<16xf32>
      %add3A_156 = arith.addf %add3A_154, %add3A_155 : vector<16xf32>
      %mul3A_157 = arith.constant 16 : i32
      %mul3A_158 = arith.muli %scan3A_143, %mul3A_157 : i32
      %add3A_159 = arith.constant 384 : i32
      %add3A_160 = arith.addi %add3A_159, %mul3A_158 : i32
      %swap3A = arith.index_cast %add3A_160 : i32 to index
      %swap3A_161 = tpu.vector_load %arg13[%swap3A] {strides = array<i32>} : memref<512xf32, #tpu.memory_space<vmem>>, vector<16xf32>,
      tpu.vector_store %arg13[%swap3A], %add3A_156 {strides = array<i32>} : memref<512xf32, #tpu.memory_space<vmem>>, vector<16xf32>,
    }
    %scan3A_136 = arith.constant 8 : i32
    %scan3A_137 = arith.constant 0 : i32
    %scan3A_138 = arith.constant 0 : i32
    %scan3A_139 = arith.constant 32 : i32
    %scan3A_140 = arith.addi %scan3A_138, %scan3A_139 : i32
    %scan3A_141 = arith.constant 1 : i32
    scf.for %scan3A_143 = %scan3A_138 to %scan3A_140 step %scan3A_141  : i32 {
      %mul3A_144 = arith.constant 16 : i32
      %mul3A_145 = arith.muli %scan3A_143, %mul3A_144 : i32
      %get3A = arith.index_cast %mul3A_145 : i32 to index
      %get3A_146 = tpu.vector_load %arg13[%get3A] {strides = array<i32>} : memref<512xf32, #tpu.memory_space<vmem>>, vector<16xf32>,
      %neg3A = arith.constant 0.000000e+00 : f32
      %neg3A_147 = vector.broadcast %neg3A : f32 to vector<16xf32>
      %neg3A_148 = arith.subf %neg3A_147, %get3A_146 : vector<16xf32>
      %exp3A = math.exp %neg3A_148 : vector<16xf32>
      %add3A_149 = arith.constant 1.000000e+00 : f32
      %add3A_150 = vector.broadcast %add3A_149 : f32 to vector<16xf32>
      %add3A_151 = arith.addf %add3A_150, %exp3A : vector<16xf32>
      %div3A = arith.constant 1.000000e+00 : f32
      %div3A_152 = vector.broadcast %div3A : f32 to vector<16xf32>
      %div3A_153 = arith.divf %div3A_152, %add3A_151 : vector<16xf32>
      %mul3A_154 = arith.constant 16 : i32
      %mul3A_155 = arith.muli %scan3A_143, %mul3A_154 : i32
      %swap3A = arith.index_cast %mul3A_155 : i32 to index
      %swap3A_156 = tpu.vector_load %arg13[%swap3A] {strides = array<i32>} : memref<512xf32, #tpu.memory_space<vmem>>, vector<16xf32>,
      tpu.vector_store %arg13[%swap3A], %div3A_153 {strides = array<i32>} : memref<512xf32, #tpu.memory_space<vmem>>, vector<16xf32>,
    }
    %scan3A_142 = arith.constant 32 : i32
    "tpu.region"() ({
      %run_scoped3A = tpu.sem_alloc : memref<!tpu.dma_semaphore, #tpu.memory_space<semaphore_mem>>
      %dma_start3A_143 = tpu.memref_slice %arg6[%mul3A_2] : memref<16384xf32, #tpu.memory_space<hbm>> -> memref<512xf32, #tpu.memory_space<hbm>>
      %dma_start3A_144 = tpu.memref_slice %arg6[%mul3A_2] : memref<16384xf32, #tpu.memory_space<hbm>> -> memref<512xf32, #tpu.memory_space<hbm>>
      tpu.enqueue_dma source(%arg13 : memref<512xf32, #tpu.memory_space<vmem>>) target(%dma_start3A_144 : memref<512xf32, #tpu.memory_space<hbm>>) target_semaphore(%run_scoped3A : memref<!tpu.dma_semaphore, #tpu.memory_space<semaphore_mem>>)
      %dma_wait3A_145 = tpu.memref_slice %arg6[%mul3A_2] : memref<16384xf32, #tpu.memory_space<hbm>> -> memref<512xf32, #tpu.memory_space<hbm>>
      %dma_wait3A_146 = tpu.memref_slice %arg6[%mul3A_2] : memref<16384xf32, #tpu.memory_space<hbm>> -> memref<512xf32, #tpu.memory_space<hbm>>
      tpu.wait_dma2 semaphore(%run_scoped3A : memref<!tpu.dma_semaphore, #tpu.memory_space<semaphore_mem>>) src(%arg13 : memref<512xf32, #tpu.memory_space<vmem>>) dst(%dma_wait3A_146 : memref<512xf32, #tpu.memory_space<hbm>>)
      tpu.yield
    }) : () -> ()
    return
  }
}

</mosaic_0001>

<sc_bundles>
// kernel: _run.3.cloned.1.call-start
scs
__scs_entry_jumppad:
0x0: {  	(pc) =	sbr.rel $0x88, $3  }
0x1: {  	(tag) =	ssettag $0x0;
	lr =	simm.s32 $0x1  }
0x2: {  	[smem:$0x3F9D] =	sst lr;
	_ =	strace $0xD0000000  }
0x3: {  	_ = 	snop  }
0x4: {  	_ = 	snop  }
0x5: {  	_ = 	snop  }
0x6: {  	_ = 	snop  }
0x7: {  	_ = 	snop  }
__scs_overlays_trampoline_lowered:
0x8: {  	[smem:$0x3FAC] =	sst s0  }
0x9: {  	[smem:$0x3FAD] =	sst s1  }
0xa: {  	[smem:$0x3FAE] =	sst s2  }
0xb: {  	[smem:$0x3FAF] =	sst s3  }
0xc: {  	[smem:$0x3FB0] =	sst s4  }
0xd: {  	[smem:$0x3FB1] =	sst s5  }
0xe: {  	[smem:$0x3FB2] =	sst s6  }
0xf: {  	[smem:$0x3FB3] =	sst s7  }
0x10: {  	[smem:$0x3FB4] =	sst s8  }
0x11: {  	[smem:$0x3FB5] =	sst s9;
	s0 =	simm.s32 @!p0 $0x0  }
0x12: {  	s1 =	sld [smem:$0x3F9B];
	s0 =	simm.s32 @p0 $0x1  }
0x13: {  	[smem:$0x3FB6] =	sst s0;
	s0 =	simm.s32 @!p1 $0x0  }
0x14: {  	s2 =	sld [smem:$0x3F9A];
	s0 =	simm.s32 @p1 $0x1  }
0x15: {  	[smem:$0x3FB7] =	sst s0;
	s0 =	simm.s32 @!p2 $0x0  }
0x16: {  	s3 =	sld [smem:$0x3FDB];
	s0 =	simm.s32 @p2 $0x1  }
0x17: {  	s4 =	simm.s32 $0x1BF5;
	[smem:$0x3FB9] =	sst s0  }
0x18: {  	s0 =	sld [smem:$0x3F9C];
	_ =	swait.ge [sflag:s4], $0x0  }
0x19: {  	s7 =	sld [smem:$0x3F9D]  }
0x1a: {  	s8 =	sadd.s32 $0xFFFFE003, lr  }
0x1b: {  	s9 =	sadd.s32 $0xFFFFFEF7, lr;
	s5 =	simm.s32 $0xFFFFFFFF;
	p2 =	slt.u32 s8, $0xFFFFF086  }
0x1c: {  	p1 =	slt.u32 s9, $0xF7A;
	s5 =	simm.s32 @!p2 $0x0  }
0x1d: {  	s5 =	simm.s32 @p1 $0x1;
	p0 =	seq.s32 s7, s2  }
0x1e: {  	s7 =	smul.u32 @!p0 $0xF7A, s2;
	p2 =	seq.s32 @!p0 s5, $0x0  }
0x1f: {  	s9 =	smul.u32 $0xF7A, s1;
	s8 =	simm.s32 @!p0 $0x1BF5;
	p2 =	por !p2, p0  }
0x20: {  	[sflag:s8] =	ssyncset.s32 @!p0 $0xFFFFF086;
	s6 =	sadd.s32 @!p0 s3, s7;
	s7 =	simm.s32 @!p0 $0x108  }
0x21: {  	s3 =	sadd.s32 s3, s9;
	s6 =	sadd.s32 @!p0 $0x88, s6;
	s7 =	simm.s32 @p2 $0x1082  }
0x22: {  	[simem:s7], [sflag:s8] =	dma.local @!p0 [hbm:s6], $0xF7A  }
0x23: {  	s9 =	sor.u32 $0xD0000000, s2;
	s6 =	simm.s32 $0x108;
	_ =	swait.ge @!p0 [sflag:s8], $0x0  }
0x24: {  	s3 =	sadd.s32 $0x88, s3;
	s6 =	simm.s32 @!p1 $0x1082;
	[sflag:s4] =	ssyncset.s32 $0xFFFFF086  }
0x25: {  	[simem:s6], [sflag:s4] =	dma.local [hbm:s3], $0xF7A  }
0x26: {  	[smem:$0x3F9D] =	sst s1;
	(tag) =	ssettag s2;
	_ =	strace s9  }
0x27: {  	s1 =	sld [smem:$0x3FAD]  }
0x28: {  	s2 =	sld [smem:$0x3FAE]  }
0x29: {  	s4 =	sld [smem:$0x3FB0]  }
0x2a: {  	p0 =	seq.s32 s5, $0x0;
	s5 =	sld [smem:$0x3FB1]  }
0x2b: {  	s6 =	sld [smem:$0x3FB2]  }
0x2c: {  	s7 =	sld [smem:$0x3FB3]  }
0x2d: {  	s3 =	simm.s32 $0x108;
	s8 =	sld [smem:$0x3FB4]  }
0x2e: {  	s3 =	simm.s32 @!p0 $0x1082;
	s9 =	sld [smem:$0x3FB5]  }
0x2f: {  	lr =	sadd.s32 s0, s3;
	s0 =	sld [smem:$0x3FAC]  }
0x30: {  	s3 =	sld [smem:$0x3FAF]  }
0x31: {  	[smem:$0x3FB8] =	sst s10  }
0x32: {  	s10 =	sld [smem:$0x3FB6];
	_ =	sdelay $0x3  }
0x33: {  	p0 =	seq.s32 s10, $0x1;
	s10 =	sld [smem:$0x3FB8];
	_ =	sdelay $0x3  }
0x34: {  	[smem:$0x3FB8] =	sst s10  }
0x35: {  	s10 =	sld [smem:$0x3FB7];
	_ =	sdelay $0x3  }
0x36: {  	p1 =	seq.s32 s10, $0x1;
	s10 =	sld [smem:$0x3FB8];
	_ =	sdelay $0x3  }
0x37: {  	[smem:$0x3FB8] =	sst s10  }
0x38: {  	s10 =	sld [smem:$0x3FB9]  }
0x39: {  	_ = 	snop;
	(pc) =	sbr.ind lr, $3  }
0x3a: {  	_ = 	snop  }
0x3b: {  	_ = 	snop  }
0x3c: {  	p2 =	seq.s32 s10, $0x1;
	s10 =	sld [smem:$0x3FB8]  }
0x3d: {  	_ =	shalt  }
0x3e: {  	_ =	shalt  }
0x3f: {  	_ =	shalt  }
0x40: {  	_ =	shalt  }
0x41: {  	_ =	shalt  }
0x42: {  	_ =	shalt  }
0x43: {  	_ =	shalt  }
0x44: {  	_ =	shalt  }
0x45: {  	_ =	shalt  }
0x46: {  	_ =	shalt  }
0x47: {  	_ =	shalt  }
0x48: {  	_ =	shalt  }
0x49: {  	_ =	shalt  }
0x4a: {  	_ =	shalt  }
0x4b: {  	_ =	shalt  }
0x4c: {  	_ =	shalt  }
0x4d: {  	_ =	shalt  }
0x4e: {  	_ =	shalt  }
0x4f: {  	_ =	shalt  }
0x50: {  	_ =	shalt  }
0x51: {  	_ =	shalt  }
0x52: {  	_ =	shalt  }
0x53: {  	_ =	shalt  }
0x54: {  	_ =	shalt  }
0x55: {  	_ =	shalt  }
0x56: {  	_ =	shalt  }
0x57: {  	_ =	shalt  }
0x58: {  	_ =	shalt  }
0x59: {  	_ =	shalt  }
0x5a: {  	_ =	shalt  }
0x5b: {  	_ =	shalt  }
0x5c: {  	_ =	shalt  }
0x5d: {  	_ =	shalt  }
0x5e: {  	_ =	shalt  }
0x5f: {  	_ =	shalt  }
0x60: {  	_ =	shalt  }
0x61: {  	_ =	shalt  }
0x62: {  	_ =	shalt  }
0x63: {  	_ =	shalt  }
0x64: {  	_ =	shalt  }
0x65: {  	_ =	shalt  }
0x66: {  	_ =	shalt  }
0x67: {  	_ =	shalt  }
0x68: {  	_ =	shalt  }
0x69: {  	_ =	shalt  }
0x6a: {  	_ =	shalt  }
0x6b: {  	_ =	shalt  }
0x6c: {  	_ =	shalt  }
0x6d: {  	_ =	shalt  }
0x6e: {  	_ =	shalt  }
0x6f: {  	_ =	shalt  }
0x70: {  	_ =	shalt  }
0x71: {  	_ =	shalt  }
0x72: {  	_ =	shalt  }
0x73: {  	_ =	shalt  }
0x74: {  	_ =	shalt  }
0x75: {  	_ =	shalt  }
0x76: {  	_ =	shalt  }
0x77: {  	_ =	shalt  }
0x78: {  	_ =	shalt  }
0x79: {  	_ =	shalt  }
0x7a: {  	_ =	shalt  }
0x7b: {  	_ =	shalt  }
0x7c: {  	_ =	shalt  }
0x7d: {  	_ =	shalt  }
0x7e: {  	_ =	shalt  }
0x7f: {  	_ =	shalt  }
0x80: {  	_ =	shalt  }
0x81: {  	_ =	shalt  }
0x82: {  	_ =	shalt  }
0x83: {  	_ =	shalt  }
0x84: {  	_ =	shalt  }
0x85: {  	_ =	shalt  }
0x86: {  	_ =	shalt  }
0x87: {  	_ =	shalt  }
.Lfunc_end0:
.L_simem_size_0:
called_computation_lowered:
.L_overlay_start_0:
0x88: {  	s2 =	sld [smem:$0x3FD9]  }
0x89: {  	s3 =	sld [smem:$0x3FFE];
	_ =	sdelay $0x1  }
0x8a: {  	s1 =	srdreg.scid  }
0x8b: {  	s0 =	sand.u32 $0x1, s1  }
0x8c: {  	s18 =	sshll.u32 s0, $0xA;
	s2 =	sadd.s32 s3, s2  }
0x8d: {  	s2 =	sadd.s32 s2, s18  }
0x8e: {  	[smem:$0x3FC4] =	sst s2  }
0x8f: {  	_ = 	snop  }
0x90: {  	s2 =	sld [smem:$0x3FC9]  }
0x91: {  	s19 =	sld [smem:$0x3FC8]  }
0x92: {  	s4 =	sld [smem:$0x3FC7]  }
0x93: {  	s5 =	sld [smem:$0x3FC6]  }
0x94: {  	s6 =	sld [smem:$0x3FD0];
	(tm) =	ssettm $0x1  }
0x95: {  	s7 =	sld [smem:$0x3FFB];
	_ =	sdelay $0x3  }
0x96: {  	_ =	strace s7  }
0x97: {  	s7 =	sld [smem:$0x3FFC];
	_ =	sdelay $0x3  }
0x98: {  	_ =	strace s7  }
0x99: {  	s7 =	sld [smem:$0x3FFD];
	_ =	sdelay $0x3  }
0x9a: {  	_ =	strace s7  }
0x9b: {  	_ =	strace $0x8FFFFFFF  }
0x9c: {  	s20 =	sld [smem:$0x3FDB];
	_ =	sdelay $0x1  }
0x9d: {  	s8 =	simm.s32 $_scs_section_size  }
0x9e: {  	s9 =	simm.s32 $_size__tile_overlayer_lowered;
	s10 =	simm.s32 $_tile_overlayer_lowered  }
0x9f: {  	s23 =	simm.s32 $0x1BFF;
	s22 =	sshll.u32 s10, $0x1;
	s7 =	sadd.s32 s8, s20  }
0xa0: {  	s11 =	simm.s32 $0x0;
	s21 =	sshll.u32 s9, $0x1;
	s9 =	sadd.s32 s22, s7  }
0xa1: {  	[timem:s11], [sflag:s23] =	dma.local [hbm:s9], s21  }
0xa2: {  	_ =	swait.ge [sflag:s23], s21  }
0xa3: {  	s8 =	ssub.s32 $0x0, s21;
	[sflag:s23] =	ssyncset.done $0x0  }
0xa4: {  	[sflag:s23] =	ssyncadd.s32 s8;
	_ =	sdelay $0x1  }
0xa5: {  	s24 =	simm.s32 $0x1B8B  }
0xa6: {  	_ =	swait.ge [sflag:s24], $0x1  }
0xa7: {  	[sflag:s24] =	ssyncset.done $0x0  }
0xa8: {  	s25 =	simm.s32 $0x1B8E;
	[sflag:s24] =	ssyncadd.s32 $0xFFFFFFFF  }
0xa9: {  	s26 =	simm.s32 $execute0_lowered;
	[smem:$0x3FD2] =	sst s25  }
0xaa: {  	s8 =	sshll.u32 s26, $0x1;
	_ =	strace $0x80000046;
	[dreg:$0x1] =	wrdreg $0xFFFFFFFF  }
0xab: {  	s28 =	simm.s32 $_size_execute0_lowered;
	s7 =	sadd.s32 s7, s8;
	[dreg:$0x0] =	wrdreg $0x0  }
0xac: {  	s8 =	sshll.u32 s28, $0x1;
	[dreg:$0x2] =	wrdreg s7  }
0xad: {  	[dreg:$0x3] =	wrdreg s8  }
0xae: {  	[dreg:$0x4] =	wrdreg $0xC0  }
0xaf: {  	_ =	task [dreg:s11], $0x5FFFF  }
0xb0: {  	[dreg:$0x1] =	wrdreg $0xFFFFFFFF  }
0xb1: {  	[dreg:$0x0] =	wrdreg $0x60  }
0xb2: {  	[dreg:$0x2] =	wrdreg s2  }
0xb3: {  	[dreg:$0x3] =	wrdreg s19  }
0xb4: {  	[dreg:$0x4] =	wrdreg s4  }
0xb5: {  	[dreg:$0x5] =	wrdreg s5  }
0xb6: {  	[dreg:$0x6] =	wrdreg s6  }
0xb7: {  	[dreg:$0x7] =	wrdreg $0x9  }
0xb8: {  	_ =	task.clear_ibuf [dreg:s11], $0x8FFFF;
	_ =	strace $0x90000046  }
0xb9: {  	s29 =	simm.s32 $0x9;
	_ =	strace $0x80000048  }
0xba: {  	_ =	swait.ge [sflag:s29], $0x1  }
0xbb: {  	[sflag:s29] =	ssyncadd.s32 $0xFFFFFFFF  }
0xbc: {  	_ =	strace $0x90000048  }
0xbd: {  	_ =	sfence  }
0xbe: {  	s30 =	sld [smem:$0x0];
	_ =	sdelay $0x2  }
0xbf: {  	s31 =	sshll.u32 s1, $0xD;
	s1 =	sshrl.u32 s1, $0x2  }
0xc0: {  	s3 =	sand.u32 $0x4000, s31;
	s1 =	sadd.s32 s1, s30  }
0xc1: {  	s0 =	sor.u32 s3, s0;
	s1 =	sshll.u32 s1, $0x11  }
0xc2: {  	s0 =	sor.u32 s1, s0  }
0xc3: {  	s0 =	sadd.s32 $0x8F2B, s0  }
0xc4: {  	[sflag:s0] =	ssyncadd.remote.s32 $0x1  }
0xc5: {  	_ =	sfence.sel $0xFFFF  }
0xc6: {  	[dreg:$0x0] =	wrdreg $0xFFFFFFFF;
	(pc) =	sbr.abs _section_cstart, $3  }
0xc7: {  	[dreg:$0x1] =	wrdreg $0xFFFFFFFF  }
0xc8: {  	_ =	task.clear_ibuf [dreg:s11], $0x2FFFF;
	_ =	strace $0x9FFFFFFF  }
0xc9: {  	(tm) =	ssettm $0x7FFFFFFF  }
tec
execute0_lowered:
.L_overlay_start_1:
0x0: {  	(tag) =	ssettag $0x1  }
0x1: {  	s1 =	rddreg [dreg:$0x0]  }
0x2: {  	s2 =	rddreg [dreg:$0x1]  }
0x3: {  	s0 =	rddreg [dreg:$0x2]  }
0x4: {  	s6 =	rddreg [dreg:$0x3]  }
0x5: {  	s7 =	rddreg [dreg:$0x4];
	s5 =	srdreg.scid  }
0x6: {  	s4 =	simm.s32 $0x0;
	s3 =	stileid.u32;
	s11 =	simm.s32 $0x80  }
0x7: {  	s12 =	simm.s32 $0x400;
	s13 =	simm.s32 $0x4400;
	s14 =	simm.s32 $0x8400  }
0x8: {  	s15 =	simm.s32 $0x280;
	s16 =	simm.s32 $0xC400;
	s17 =	simm.s32 $0x1  }
0x9: {  	s18 =	simm.s32 $0x2;
	s19 =	simm.s32 $0x100;
	s20 =	simm.s32 $0x300  }
0xa: {  	v0 =	vlaneseq.u32;
	s21 =	simm.s32 $0x3;
	s22 =	simm.s32 $0x4;
	s23 =	simm.s32 $0x180  }
0xb: {  	s24 =	simm.s32 $0x380;
	s25 =	simm.s32 $0x10400;
	s5 =	sand.u32 $0x1, s5;
	v1 =	vmul.u32 $0x80, v0  }
0xc: {  	s26 =	simm.s32 $0x0;
	s9 =	sshll.u32 s3, $0x7;
	v2 =	vadd.s32 $0x1, v0;
	v3 =	vadd.s32 $0x2, v0;
	v4 =	vadd.s32 $0x3, v0;
	s8 =	ssub.s32 $0x2, s5  }
0xd: {  	[smem:$0x7FF] =	sst s4;
	v5 =	vadd.s32 $0x4, v0;
	v6 =	vadd.s32 $0x5, v0;
	v7 =	vadd.s32 $0x6, v0;
	s5 =	sshll.u32 s5, $0x6;
	s10 =	sshrl.u32 s8, $0x1  }
0xe: {  	v8 =	vadd.s32 $0x7, v0;
	v9 =	vadd.s32 $0x8, v0;
	v10 =	vadd.s32 $0x9, v0;
	_ =	strace $0x80000047;
	s9 =	sor.u32 s5, s9;
	s8 =	ssub.s32 s8, s10  }
0xf: {  	v11 =	vadd.s32 $0xA, v0;
	v12 =	vadd.s32 $0xB, v0;
	v13 =	vadd.s32 $0xC, v0;
	s5 =	sadd.s32 s0, s9;
	s6 =	sadd.s32 s6, s9;
	s7 =	sadd.s32 s7, s9  }
0x10: {  	v14 =	vadd.s32 $0xD, v0;
	v15 =	vadd.s32 $0xE, v0;
	v16 =	vadd.s32 $0xF, v0;
	s9 =	simm.s32 $0x5;
	s10 =	simm.s32 $0x200;
	s8 =	smax.u32 s8, $0x1  }
.LBB2_1:
0x11: {  	[tilespmem:s4], [sflag:$0x5] =	stream.linear.gather [hbm4b:s5+s4], $0x200, $0x38;
	[tilespmem:$0x10600] =	vst v63  }
0x12: {  	_ =	swait.ge [sflag:s9], $0x200  }
0x13: {  	[sflag:s9] =	ssyncset.done $0x0  }
0x14: {  	[sflag:s9] =	ssyncadd.s32 $0xFFFFFE00  }
0x15: {  	[tilespmem:s10], [sflag:$0x5] =	stream.linear.gather [hbm4b:s6+s4], $0x200, $0x38;
	[tilespmem:$0x10600] =	vst v63  }
0x16: {  	_ =	swait.ge [sflag:s9], $0x200  }
0x17: {  	[sflag:s9] =	ssyncset.done $0x0  }
0x18: {  	[sflag:s9] =	ssyncadd.s32 $0xFFFFFE00  }
0x19: {  	[tilespmem:s12], [sflag:$0x1] =	stream.indirect.gather [hbm4b:s1+s11], $0x80, s4, s11, $0xb8;
	[tilespmem:$0x10600] =	vst v63  }
0x1a: {  	_ = 	snop  }
0x1b: {  	[tilespmem:s13], [sflag:$0x2] =	stream.indirect.gather [hbm4b:s2+s11], $0x80, s10, s11, $0xb8;
	[tilespmem:$0x10600] =	vst v63  }
0x1c: {  	_ = 	snop  }
0x1d: {  	[tilespmem:s14], [sflag:$0x3] =	stream.indirect.gather [hbm4b:s1+s11], $0x80, s11, s11, $0xb8;
	[tilespmem:$0x10600] =	vst v63  }
0x1e: {  	_ = 	snop  }
0x1f: {  	[tilespmem:s16], [sflag:$0x4] =	stream.indirect.gather [hbm4b:s2+s11], $0x80, s15, s11, $0xb8;
	[tilespmem:$0x10600] =	vst v63  }
0x20: {  	_ =	swait.ge [sflag:s17], $0x4000  }
0x21: {  	[sflag:s17] =	ssyncset.done $0x0  }
0x22: {  	[sflag:s17] =	ssyncadd.s32 $0xFFFFC000  }
0x23: {  	_ =	swait.ge [sflag:s18], $0x4000  }
0x24: {  	[sflag:s18] =	ssyncset.done $0x0  }
0x25: {  	s28 =	simm.s32 $0x0;
	[sflag:s18] =	ssyncadd.s32 $0xFFFFC000  }
.LBB2_2:
0x26: {  	s29 =	sshll.u32 s28, $0x4  }
0x27: {  	s30 =	simm.s32 $0x0;
	v17 =	vmov s29  }
0x28: {  	v25 =	vadd.s32 s30, v16;
	v17 =	vshll.u32 v17, $0x7  }
0x29: {  	v25 =	vand.u32 $0x7F, v25;
	v17 =	vor.u32 v1, v17  }
0x2a: {  	v26 =	vadd.s32 s30, v12;
	v27 =	vor.u32 v17, v25  }
0x2b: {  	v26 =	vand.u32 $0x7F, v26  }
0x2c: {  	v19 =	vadd.s32 s30, v13;
	v30 =	vor.u32 v17, v26  }
0x2d: {  	v21 =	vadd.s32 s30, v9;
	v19 =	vand.u32 $0x7F, v19;
	v18 =	vor.u32 v0, v17  }
0x2e: {  	v22 =	vor.u32 v17, v19;
	v19 =	vand.u32 $0x7F, v21;
	v20 =	vor.u32 s30, v18  }
0x2f: {  	v23 =	vor.u32 v17, v19;
	v31 =	vld.idx.msk [tilespmem:v27+s12+$0x0], $0xffff  }
0x30: {  	v34 =	vld.idx.msk [tilespmem:v27+s13+$0x0], $0xffff  }
0x31: {  	v21 =	vadd.s32 s30, v5;
	v36 =	vld.idx.msk [tilespmem:v30+s12+$0x0], $0xffff  }
0x32: {  	v21 =	vand.u32 $0x7F, v21;
	v39 =	vld.idx.msk [tilespmem:v30+s13+$0x0], $0xffff  }
0x33: {  	v24 =	vor.u32 v17, v21;
	v19 =	vld.idx.msk [tilespmem:v20+s12+$0x0], $0xffff  }
0x34: {  	v28 =	vadd.s32 s30, v8;
	v25 =	vld.idx.msk [tilespmem:v23+s12+$0x0], $0xffff  }
0x35: {  	v29 =	vld.idx.msk [tilespmem:v23+s13+$0x0], $0xffff;
	v23 =	vand.u32 $0x7F, v28  }
0x36: {  	v27 =	vadd.s32 s30, v11;
	v21 =	vld.idx.msk [tilespmem:v20+s13+$0x0], $0xffff;
	v23 =	vor.u32 v17, v23  }
0x37: {  	v20 =	vld.idx.msk [tilespmem:v22+s12+$0x0], $0xffff;
	v27 =	vand.u32 $0x7F, v27  }
0x38: {  	v28 =	vadd.s32 s30, v4;
	v26 =	vld.idx.msk [tilespmem:v24+s12+$0x0], $0xffff;
	v27 =	vor.u32 v17, v27  }
0x39: {  	v33 =	vld.idx.msk [tilespmem:v24+s13+$0x0], $0xffff;
	v24 =	vand.u32 $0x7F, v28;
	v28 =	vadd.s32 s30, v15  }
0x3a: {  	v22 =	vld.idx.msk [tilespmem:v22+s13+$0x0], $0xffff;
	v24 =	vor.u32 v17, v24;
	v28 =	vand.u32 $0x7F, v28  }
0x3b: {  	v32 =	vor.u32 v17, v28;
	v28 =	vadd.s32 s30, v7;
	v38 =	vld.idx.msk [tilespmem:v23+s12+$0x0], $0xffff  }
0x3c: {  	v35 =	vadd.s32 s30, v2;
	v30 =	vadd.s32 s30, v3;
	v28 =	vand.u32 $0x7F, v28;
	v41 =	vld.idx.msk [tilespmem:v23+s13+$0x0], $0xffff  }
0x3d: {  	v45 =	vor.u32 v17, v28;
	v28 =	vand.u32 $0x7F, v30;
	v30 =	vand.u32 $0x7F, v35;
	v35 =	vld.idx.msk [tilespmem:v27+s12+$0x0], $0xffff  }
0x3e: {  	v37 =	vld.idx.msk [tilespmem:v27+s13+$0x0], $0xffff  }
0x3f: {  	v44 =	vor.u32 v17, v28;
	v40 =	vld.idx.msk [tilespmem:v24+s12+$0x0], $0xffff  }
0x40: {  	v46 =	vadd.s32 s30, v6;
	v23 =	vimm.f32 $0.0e+00;
	v43 =	vor.u32 v17, v30;
	v42 =	vld.idx.msk [tilespmem:v24+s13+$0x0], $0xffff  }
0x41: {  	s0 =	simm.s32 $0x10;
	v30 =	vimm.f32 $0.0e+00;
	v27 =	vimm.f32 $0.0e+00;
	v28 =	vimm.f32 $0.0e+00;
	v24 =	vld.idx.msk [tilespmem:v32+s12+$0x0], $0xffff  }
.LBB2_3:
0x42: {  	p0 =	sne.s32 s0, $0x70;
	v46 =	vand.u32 $0x7F, v46;
	v47 =	vld.idx.msk [tilespmem:v45+s12+$0x0], $0xffff  }
0x43: {  	v48 =	vadd.s32 s30, v10;
	v46 =	vor.u32 v17, v46;
	v45 =	vld.idx.msk [tilespmem:v45+s13+$0x0], $0xffff  }
0x44: {  	v49 =	vadd.s32 s0, v9;
	v50 =	vadd.s32 s0, v13;
	v48 =	vand.u32 $0x7F, v48;
	v51 =	vld.idx.msk [tilespmem:v44+s12+$0x0], $0xffff  }
0x45: {  	v52 =	vor.u32 s0, v18;
	v53 =	vadd.s32 s30, v14;
	s30 =	smov.u32 s0;
	v48 =	vor.u32 v17, v48;
	v44 =	vld.idx.msk [tilespmem:v44+s13+$0x0], $0xffff  }
0x46: {  	v54 =	vadd.s32 s0, v5;
	v50 =	vand.u32 $0x7F, v50;
	v53 =	vand.u32 $0x7F, v53;
	v55 =	vld.idx.msk [tilespmem:v43+s12+$0x0], $0xffff  }
0x47: {  	v54 =	vand.u32 $0x7F, v54;
	v49 =	vand.u32 $0x7F, v49;
	v53 =	vor.u32 v17, v53;
	v43 =	vld.idx.msk [tilespmem:v43+s13+$0x0], $0xffff  }
0x48: {  	v21 =	vmul.f32 v21, v19;
	v49 =	vor.u32 v17, v49;
	v50 =	vor.u32 v17, v50;
	v56 =	vld.idx.msk [tilespmem:v46+s12+$0x0], $0xffff  }
0x49: {  	v29 =	vmul.f32 v29, v25;
	v57 =	vmul.f32 v22, v20;
	v54 =	vor.u32 v17, v54;
	v46 =	vld.idx.msk [tilespmem:v46+s13+$0x0], $0xffff  }
0x4a: {  	v19 =	vadd.s32 s0, v12;
	v20 =	vadd.s32 s0, v16;
	v22 =	vmul.f32 v33, v26;
	v25 =	vld.idx.msk [tilespmem:v48+s12+$0x0], $0xffff  }
0x4b: {  	v58 =	vadd.s32 s0, v4;
	v33 =	vadd.s32 s0, v8;
	v20 =	vand.u32 $0x7F, v20;
	v26 =	vld.idx.msk [tilespmem:v48+s13+$0x0], $0xffff  }
0x4c: {  	v36 =	vmul.f32 v39, v36;
	v31 =	vmul.f32 v34, v31;
	v19 =	vand.u32 $0x7F, v19;
	v39 =	vld.idx.msk [tilespmem:v53+s12+$0x0], $0xffff  }
0x4d: {  	v38 =	vmul.f32 v41, v38;
	v34 =	vor.u32 v17, v20;
	v20 =	vmul.f32 v43, v55;
	v41 =	vld.idx.msk [tilespmem:v53+s13+$0x0], $0xffff  }
0x4e: {  	v40 =	vmul.f32 v42, v40;
	v44 =	vmul.f32 v44, v51;
	v43 =	vor.u32 v17, v19;
	v32 =	vld.idx.msk [tilespmem:v32+s13+$0x0], $0xffff  }
0x4f: {  	v23 =	vadd.f32 v21, v23;
	v30 =	vadd.f32 v20, v30;
	v42 =	vmul.f32 v46, v56;
	v19 =	vld.idx.msk [tilespmem:v52+s12+$0x0], $0xffff  }
0x50: {  	v28 =	vadd.f32 v40, v28;
	v40 =	vmul.f32 v45, v47;
	v27 =	vadd.f32 v44, v27;
	v21 =	vld.idx.msk [tilespmem:v52+s13+$0x0], $0xffff  }
0x51: {  	v23 =	vadd.f32 v22, v23;
	v30 =	vadd.f32 v42, v30;
	v26 =	vmul.f32 v26, v25;
	v20 =	vld.idx.msk [tilespmem:v50+s12+$0x0], $0xffff  }
0x52: {  	v35 =	vmul.f32 v37, v35;
	v28 =	vadd.f32 v38, v28;
	v27 =	vadd.f32 v40, v27;
	v22 =	vld.idx.msk [tilespmem:v50+s13+$0x0], $0xffff  }
0x53: {  	v23 =	vadd.f32 v29, v23;
	v30 =	vadd.f32 v26, v30;
	v37 =	vmul.f32 v41, v39;
	v25 =	vld.idx.msk [tilespmem:v49+s12+$0x0], $0xffff  }
0x54: {  	v28 =	vadd.f32 v36, v28;
	v27 =	vadd.f32 v35, v27;
	v24 =	vmul.f32 v32, v24;
	v29 =	vld.idx.msk [tilespmem:v49+s13+$0x0], $0xffff  }
0x55: {  	v23 =	vadd.f32 v57, v23;
	v32 =	vand.u32 $0x7F, v33;
	v30 =	vadd.f32 v37, v30;
	v26 =	vld.idx.msk [tilespmem:v54+s12+$0x0], $0xffff  }
0x56: {  	v28 =	vadd.f32 v31, v28;
	v35 =	vor.u32 v17, v32;
	v27 =	vadd.f32 v24, v27;
	v33 =	vld.idx.msk [tilespmem:v54+s13+$0x0], $0xffff  }
0x57: {  	v24 =	vand.u32 $0x7F, v58;
	v31 =	vld.idx.msk [tilespmem:v34+s12+$0x0], $0xffff  }
0x58: {  	v32 =	vadd.s32 s0, v15;
	v24 =	vor.u32 v17, v24;
	v34 =	vld.idx.msk [tilespmem:v34+s13+$0x0], $0xffff  }
0x59: {  	v37 =	vadd.s32 s0, v11;
	v32 =	vand.u32 $0x7F, v32;
	v36 =	vld.idx.msk [tilespmem:v43+s12+$0x0], $0xffff  }
0x5a: {  	v37 =	vand.u32 $0x7F, v37;
	v32 =	vor.u32 v17, v32;
	v39 =	vld.idx.msk [tilespmem:v43+s13+$0x0], $0xffff  }
0x5b: {  	v40 =	vadd.s32 s0, v7;
	v37 =	vor.u32 v17, v37;
	v38 =	vld.idx.msk [tilespmem:v35+s12+$0x0], $0xffff  }
0x5c: {  	v42 =	vand.u32 $0x7F, v40;
	v41 =	vld.idx.msk [tilespmem:v35+s13+$0x0], $0xffff  }
.Ltmp0:
0x5d: {  	v45 =	vor.u32 v17, v42;
	v35 =	vadd.s32 s0, v3;
	v40 =	vld.idx.msk [tilespmem:v24+s12+$0x0], $0xffff;
	(pc) =	sbr.rel @p0 .LBB2_3-.Ltmp0, $4  }
0x5e: {  	v35 =	vand.u32 $0x7F, v35;
	v42 =	vld.idx.msk [tilespmem:v24+s13+$0x0], $0xffff  }
0x5f: {  	v43 =	vadd.s32 s0, v2;
	v44 =	vor.u32 v17, v35;
	v24 =	vld.idx.msk [tilespmem:v32+s12+$0x0], $0xffff  }
0x60: {  	v43 =	vand.u32 $0x7F, v43;
	v35 =	vld.idx.msk [tilespmem:v37+s12+$0x0], $0xffff  }
0x61: {  	v46 =	vadd.s32 s30, v6;
	v43 =	vor.u32 v17, v43;
	s0 =	sadd.s32 $0x10, s0;
	v37 =	vld.idx.msk [tilespmem:v37+s13+$0x0], $0xffff  }
0x62: {  	_ =	sdelay $0x3  }
0x63: {  	v18 =	vand.u32 $0x7F, v46;
	v55 =	vld.idx.msk [tilespmem:v45+s12+$0x0], $0xffff  }
0x64: {  	v56 =	vld.idx.msk [tilespmem:v45+s13+$0x0], $0xffff;
	v47 =	vadd.s32 s30, v10;
	v18 =	vor.u32 v17, v18  }
0x65: {  	v48 =	vld.idx.msk [tilespmem:v44+s12+$0x0], $0xffff;
	v47 =	vand.u32 $0x7F, v47  }
0x66: {  	v57 =	vld.idx.msk [tilespmem:v44+s13+$0x0], $0xffff;
	v49 =	vadd.s32 s30, v14;
	v47 =	vor.u32 v17, v47  }
0x67: {  	v50 =	vld.idx.msk [tilespmem:v43+s12+$0x0], $0xffff;
	v49 =	vand.u32 $0x7F, v49  }
0x68: {  	v58 =	vld.idx.msk [tilespmem:v43+s13+$0x0], $0xffff;
	v17 =	vor.u32 v17, v49  }
0x69: {  	v59 =	vld.idx.msk [tilespmem:v18+s12+$0x0], $0xffff  }
0x6a: {  	v19 =	vmul.f32 v21, v19;
	v18 =	vld.idx.msk [tilespmem:v18+s13+$0x0], $0xffff  }
0x6b: {  	v21 =	vmul.f32 v29, v25;
	v20 =	vmul.f32 v22, v20;
	v61 =	vld.idx.msk [tilespmem:v47+s12+$0x0], $0xffff  }
0x6c: {  	v60 =	vmul.f32 v33, v26;
	v63 =	vmul.f32 v39, v36;
	v62 =	vld.idx.msk [tilespmem:v47+s13+$0x0], $0xffff  }
0x6d: {  	v53 =	vmul.f32 v42, v40;
	v52 =	vmul.f32 v57, v48;
	v47 =	vld.idx.msk [tilespmem:v17+s12+$0x0], $0xffff  }
0x6e: {  	v51 =	vmul.f32 v41, v38;
	v19 =	vadd.f32 v19, v23;
	v50 =	vmul.f32 v58, v50;
	v17 =	vld.idx.msk [tilespmem:v17+s13+$0x0], $0xffff  }
0x6f: {  	v32 =	vld.idx.msk [tilespmem:v32+s13+$0x0], $0xffff;
	v28 =	vadd.f32 v53, v28;
	v55 =	vmul.f32 v56, v55;
	v27 =	vadd.f32 v52, v27  }
0x70: {  	v19 =	vadd.f32 v60, v19;
	v54 =	vadd.f32 v50, v30;
	v18 =	vmul.f32 v18, v59  }
0x71: {  	v31 =	vmul.f32 v34, v31;
	v58 =	vadd.f32 v51, v28;
	v57 =	vadd.f32 v55, v27  }
0x72: {  	v59 =	vmul.f32 v37, v35;
	v56 =	vmul.f32 v62, v61;
	v18 =	vadd.f32 v18, v54  }
0x73: {  	v19 =	vadd.f32 v21, v19;
	v17 =	vmul.f32 v17, v47;
	v61 =	vadd.f32 v63, v58  }
0x74: {  	v62 =	vmul.f32 v32, v24;
	v60 =	vadd.f32 v59, v57;
	v18 =	vadd.f32 v56, v18  }
0x75: {  	v19 =	vadd.f32 v20, v19;
	v63 =	vadd.f32 v31, v61  }
0x76: {  	s28 =	sadd.s32 $0x1, s28;
	v17 =	vadd.f32 v17, v18;
	v18 =	vadd.f32 v62, v60  }
0x77: {  	p0 =	sne.s32 s28, $0x8  }
.Ltmp1:
0x78: {  	v17 =	vadd.f32 v17, v19;
	v18 =	vadd.f32 v63, v18;
	(pc) =	sbr.rel @p0 .LBB2_2-.Ltmp1, $3  }
0x79: {  	_ = 	snop  }
0x7a: {  	v17 =	vadd.f32 v18, v17;
	_ =	sdelay $0x1  }
0x7b: {  	[tilespmem:s29+$0x10400] =	vst v17  }
0x7c: {  	[tilespmem:s12], [sflag:$0x1] =	stream.indirect.gather [hbm4b:s1+s11], $0x80, s19, s11, $0xb8;
	[tilespmem:$0x10600] =	vst v63  }
0x7d: {  	_ = 	snop  }
0x7e: {  	[tilespmem:s13], [sflag:$0x2] =	stream.indirect.gather [hbm4b:s2+s11], $0x80, s20, s11, $0xb8;
	[tilespmem:$0x10600] =	vst v63  }
0x7f: {  	_ =	swait.ge [sflag:s21], $0x4000  }
0x80: {  	[sflag:s21] =	ssyncset.done $0x0  }
0x81: {  	[sflag:s21] =	ssyncadd.s32 $0xFFFFC000  }
0x82: {  	_ =	swait.ge [sflag:s22], $0x4000  }
0x83: {  	[sflag:s22] =	ssyncset.done $0x0  }
0x84: {  	s28 =	simm.s32 $0x0;
	s29 =	simm.s32 $0x0;
	[sflag:s22] =	ssyncadd.s32 $0xFFFFC000  }
.LBB2_6:
0x85: {  	s30 =	sshll.u32 s29, $0x4  }
0x86: {  	v17 =	vmov s30  }
0x87: {  	v25 =	vadd.s32 s28, v16;
	v17 =	vshll.u32 v17, $0x7  }
0x88: {  	v25 =	vand.u32 $0x7F, v25;
	v17 =	vor.u32 v1, v17  }
0x89: {  	v26 =	vadd.s32 s28, v12;
	v28 =	vor.u32 v17, v25  }
0x8a: {  	v26 =	vand.u32 $0x7F, v26  }
0x8b: {  	v19 =	vadd.s32 s28, v13;
	v31 =	vor.u32 v17, v26  }
0x8c: {  	v21 =	vadd.s32 s28, v9;
	v19 =	vand.u32 $0x7F, v19;
	v18 =	vor.u32 v0, v17  }
0x8d: {  	v22 =	vor.u32 v17, v19;
	v19 =	vand.u32 $0x7F, v21;
	v20 =	vor.u32 s28, v18  }
0x8e: {  	v23 =	vor.u32 v17, v19;
	v30 =	vld.idx.msk [tilespmem:v28+s14+$0x0], $0xffff  }
0x8f: {  	v34 =	vld.idx.msk [tilespmem:v28+s16+$0x0], $0xffff  }
0x90: {  	v21 =	vadd.s32 s28, v5;
	v36 =	vld.idx.msk [tilespmem:v31+s14+$0x0], $0xffff  }
0x91: {  	v21 =	vand.u32 $0x7F, v21;
	v39 =	vld.idx.msk [tilespmem:v31+s16+$0x0], $0xffff  }
0x92: {  	v24 =	vor.u32 v17, v21;
	v19 =	vld.idx.msk [tilespmem:v20+s14+$0x0], $0xffff  }
0x93: {  	v29 =	vadd.s32 s28, v8;
	v25 =	vld.idx.msk [tilespmem:v23+s14+$0x0], $0xffff  }
0x94: {  	v27 =	vld.idx.msk [tilespmem:v23+s16+$0x0], $0xffff;
	v23 =	vand.u32 $0x7F, v29  }
0x95: {  	v28 =	vadd.s32 s28, v11;
	v21 =	vld.idx.msk [tilespmem:v20+s16+$0x0], $0xffff;
	v23 =	vor.u32 v17, v23  }
0x96: {  	v20 =	vld.idx.msk [tilespmem:v22+s14+$0x0], $0xffff;
	v28 =	vand.u32 $0x7F, v28  }
0x97: {  	v29 =	vadd.s32 s28, v4;
	v26 =	vld.idx.msk [tilespmem:v24+s14+$0x0], $0xffff;
	v28 =	vor.u32 v17, v28  }
0x98: {  	v33 =	vld.idx.msk [tilespmem:v24+s16+$0x0], $0xffff;
	v24 =	vand.u32 $0x7F, v29;
	v29 =	vadd.s32 s28, v15  }
0x99: {  	v22 =	vld.idx.msk [tilespmem:v22+s16+$0x0], $0xffff;
	v24 =	vor.u32 v17, v24;
	v29 =	vand.u32 $0x7F, v29  }
0x9a: {  	v32 =	vor.u32 v17, v29;
	v29 =	vadd.s32 s28, v7;
	v38 =	vld.idx.msk [tilespmem:v23+s14+$0x0], $0xffff  }
0x9b: {  	v35 =	vadd.s32 s28, v2;
	v31 =	vadd.s32 s28, v3;
	v29 =	vand.u32 $0x7F, v29;
	v41 =	vld.idx.msk [tilespmem:v23+s16+$0x0], $0xffff  }
0x9c: {  	v45 =	vor.u32 v17, v29;
	v29 =	vand.u32 $0x7F, v31;
	v31 =	vand.u32 $0x7F, v35;
	v35 =	vld.idx.msk [tilespmem:v28+s14+$0x0], $0xffff  }
0x9d: {  	v37 =	vld.idx.msk [tilespmem:v28+s16+$0x0], $0xffff  }
0x9e: {  	v44 =	vor.u32 v17, v29;
	v40 =	vld.idx.msk [tilespmem:v24+s14+$0x0], $0xffff  }
0x9f: {  	v46 =	vadd.s32 s28, v6;
	v23 =	vimm.f32 $0.0e+00;
	v43 =	vor.u32 v17, v31;
	v42 =	vld.idx.msk [tilespmem:v24+s16+$0x0], $0xffff  }
0xa0: {  	s0 =	simm.s32 $0x10;
	s31 =	simm.s32 $0x0;
	v31 =	vimm.f32 $0.0e+00;
	v28 =	vimm.f32 $0.0e+00;
	v29 =	vimm.f32 $0.0e+00;
	v24 =	vld.idx.msk [tilespmem:v32+s14+$0x0], $0xffff  }
.LBB2_7:
0xa1: {  	p0 =	sne.s32 s0, $0x70;
	v46 =	vand.u32 $0x7F, v46;
	v47 =	vld.idx.msk [tilespmem:v45+s14+$0x0], $0xffff  }
0xa2: {  	v48 =	vadd.s32 s31, v10;
	v46 =	vor.u32 v17, v46;
	v45 =	vld.idx.msk [tilespmem:v45+s16+$0x0], $0xffff  }
0xa3: {  	v49 =	vadd.s32 s0, v9;
	v50 =	vadd.s32 s0, v13;
	v48 =	vand.u32 $0x7F, v48;
	v51 =	vld.idx.msk [tilespmem:v44+s14+$0x0], $0xffff  }
0xa4: {  	v52 =	vor.u32 s0, v18;
	v53 =	vadd.s32 s31, v14;
	s31 =	smov.u32 s0;
	v48 =	vor.u32 v17, v48;
	v44 =	vld.idx.msk [tilespmem:v44+s16+$0x0], $0xffff  }
0xa5: {  	v54 =	vadd.s32 s0, v5;
	v50 =	vand.u32 $0x7F, v50;
	v53 =	vand.u32 $0x7F, v53;
	v55 =	vld.idx.msk [tilespmem:v43+s14+$0x0], $0xffff  }
0xa6: {  	v54 =	vand.u32 $0x7F, v54;
	v49 =	vand.u32 $0x7F, v49;
	v53 =	vor.u32 v17, v53;
	v43 =	vld.idx.msk [tilespmem:v43+s16+$0x0], $0xffff  }
0xa7: {  	v21 =	vmul.f32 v21, v19;
	v49 =	vor.u32 v17, v49;
	v50 =	vor.u32 v17, v50;
	v56 =	vld.idx.msk [tilespmem:v46+s14+$0x0], $0xffff  }
0xa8: {  	v27 =	vmul.f32 v27, v25;
	v57 =	vmul.f32 v22, v20;
	v54 =	vor.u32 v17, v54;
	v46 =	vld.idx.msk [tilespmem:v46+s16+$0x0], $0xffff  }
0xa9: {  	v19 =	vadd.s32 s0, v12;
	v20 =	vadd.s32 s0, v16;
	v22 =	vmul.f32 v33, v26;
	v25 =	vld.idx.msk [tilespmem:v48+s14+$0x0], $0xffff  }
0xaa: {  	v58 =	vadd.s32 s0, v4;
	v33 =	vadd.s32 s0, v8;
	v20 =	vand.u32 $0x7F, v20;
	v26 =	vld.idx.msk [tilespmem:v48+s16+$0x0], $0xffff  }
0xab: {  	v36 =	vmul.f32 v39, v36;
	v30 =	vmul.f32 v34, v30;
	v19 =	vand.u32 $0x7F, v19;
	v39 =	vld.idx.msk [tilespmem:v53+s14+$0x0], $0xffff  }
0xac: {  	v38 =	vmul.f32 v41, v38;
	v34 =	vor.u32 v17, v20;
	v20 =	vmul.f32 v43, v55;
	v41 =	vld.idx.msk [tilespmem:v53+s16+$0x0], $0xffff  }
0xad: {  	v40 =	vmul.f32 v42, v40;
	v44 =	vmul.f32 v44, v51;
	v43 =	vor.u32 v17, v19;
	v32 =	vld.idx.msk [tilespmem:v32+s16+$0x0], $0xffff  }
0xae: {  	v23 =	vadd.f32 v21, v23;
	v31 =	vadd.f32 v20, v31;
	v42 =	vmul.f32 v46, v56;
	v19 =	vld.idx.msk [tilespmem:v52+s14+$0x0], $0xffff  }
0xaf: {  	v29 =	vadd.f32 v40, v29;
	v40 =	vmul.f32 v45, v47;
	v28 =	vadd.f32 v44, v28;
	v21 =	vld.idx.msk [tilespmem:v52+s16+$0x0], $0xffff  }
0xb0: {  	v23 =	vadd.f32 v22, v23;
	v31 =	vadd.f32 v42, v31;
	v26 =	vmul.f32 v26, v25;
	v20 =	vld.idx.msk [tilespmem:v50+s14+$0x0], $0xffff  }
0xb1: {  	v35 =	vmul.f32 v37, v35;
	v29 =	vadd.f32 v38, v29;
	v28 =	vadd.f32 v40, v28;
	v22 =	vld.idx.msk [tilespmem:v50+s16+$0x0], $0xffff  }
0xb2: {  	v23 =	vadd.f32 v27, v23;
	v31 =	vadd.f32 v26, v31;
	v37 =	vmul.f32 v41, v39;
	v25 =	vld.idx.msk [tilespmem:v49+s14+$0x0], $0xffff  }
0xb3: {  	v29 =	vadd.f32 v36, v29;
	v28 =	vadd.f32 v35, v28;
	v24 =	vmul.f32 v32, v24;
	v27 =	vld.idx.msk [tilespmem:v49+s16+$0x0], $0xffff  }
0xb4: {  	v23 =	vadd.f32 v57, v23;
	v32 =	vand.u32 $0x7F, v33;
	v31 =	vadd.f32 v37, v31;
	v26 =	vld.idx.msk [tilespmem:v54+s14+$0x0], $0xffff  }
0xb5: {  	v29 =	vadd.f32 v30, v29;
	v35 =	vor.u32 v17, v32;
	v28 =	vadd.f32 v24, v28;
	v33 =	vld.idx.msk [tilespmem:v54+s16+$0x0], $0xffff  }
0xb6: {  	v24 =	vand.u32 $0x7F, v58;
	v30 =	vld.idx.msk [tilespmem:v34+s14+$0x0], $0xffff  }
0xb7: {  	v32 =	vadd.s32 s0, v15;
	v24 =	vor.u32 v17, v24;
	v34 =	vld.idx.msk [tilespmem:v34+s16+$0x0], $0xffff  }
0xb8: {  	v37 =	vadd.s32 s0, v11;
	v32 =	vand.u32 $0x7F, v32;
	v36 =	vld.idx.msk [tilespmem:v43+s14+$0x0], $0xffff  }
0xb9: {  	v37 =	vand.u32 $0x7F, v37;
	v32 =	vor.u32 v17, v32;
	v39 =	vld.idx.msk [tilespmem:v43+s16+$0x0], $0xffff  }
0xba: {  	v40 =	vadd.s32 s0, v7;
	v37 =	vor.u32 v17, v37;
	v38 =	vld.idx.msk [tilespmem:v35+s14+$0x0], $0xffff  }
0xbb: {  	v42 =	vand.u32 $0x7F, v40;
	v41 =	vld.idx.msk [tilespmem:v35+s16+$0x0], $0xffff  }
.Ltmp2:
0xbc: {  	v45 =	vor.u32 v17, v42;
	v35 =	vadd.s32 s0, v3;
	v40 =	vld.idx.msk [tilespmem:v24+s14+$0x0], $0xffff;
	(pc) =	sbr.rel @p0 .LBB2_7-.Ltmp2, $4  }
0xbd: {  	v35 =	vand.u32 $0x7F, v35;
	v42 =	vld.idx.msk [tilespmem:v24+s16+$0x0], $0xffff  }
0xbe: {  	v43 =	vadd.s32 s0, v2;
	v44 =	vor.u32 v17, v35;
	v24 =	vld.idx.msk [tilespmem:v32+s14+$0x0], $0xffff  }
0xbf: {  	v43 =	vand.u32 $0x7F, v43;
	v35 =	vld.idx.msk [tilespmem:v37+s14+$0x0], $0xffff  }
0xc0: {  	v46 =	vadd.s32 s31, v6;
	v43 =	vor.u32 v17, v43;
	s0 =	sadd.s32 $0x10, s0;
	v37 =	vld.idx.msk [tilespmem:v37+s16+$0x0], $0xffff  }
0xc1: {  	_ =	sdelay $0x3  }
0xc2: {  	v18 =	vand.u32 $0x7F, v46;
	v55 =	vld.idx.msk [tilespmem:v45+s14+$0x0], $0xffff  }
0xc3: {  	v56 =	vld.idx.msk [tilespmem:v45+s16+$0x0], $0xffff;
	v47 =	vadd.s32 s31, v10;
	v18 =	vor.u32 v17, v18  }
0xc4: {  	v48 =	vld.idx.msk [tilespmem:v44+s14+$0x0], $0xffff;
	v47 =	vand.u32 $0x7F, v47  }
0xc5: {  	v57 =	vld.idx.msk [tilespmem:v44+s16+$0x0], $0xffff;
	v49 =	vadd.s32 s31, v14;
	v47 =	vor.u32 v17, v47  }
0xc6: {  	v50 =	vld.idx.msk [tilespmem:v43+s14+$0x0], $0xffff;
	v49 =	vand.u32 $0x7F, v49  }
0xc7: {  	v58 =	vld.idx.msk [tilespmem:v43+s16+$0x0], $0xffff;
	v17 =	vor.u32 v17, v49  }
0xc8: {  	v59 =	vld.idx.msk [tilespmem:v18+s14+$0x0], $0xffff  }
0xc9: {  	v19 =	vmul.f32 v21, v19;
	v18 =	vld.idx.msk [tilespmem:v18+s16+$0x0], $0xffff  }
0xca: {  	v21 =	vmul.f32 v27, v25;
	v20 =	vmul.f32 v22, v20;
	v61 =	vld.idx.msk [tilespmem:v47+s14+$0x0], $0xffff  }
0xcb: {  	v60 =	vmul.f32 v33, v26;
	v63 =	vmul.f32 v39, v36;
	v62 =	vld.idx.msk [tilespmem:v47+s16+$0x0], $0xffff  }
0xcc: {  	v53 =	vmul.f32 v42, v40;
	v52 =	vmul.f32 v57, v48;
	v47 =	vld.idx.msk [tilespmem:v17+s14+$0x0], $0xffff  }
0xcd: {  	v51 =	vmul.f32 v41, v38;
	v19 =	vadd.f32 v19, v23;
	v50 =	vmul.f32 v58, v50;
	v17 =	vld.idx.msk [tilespmem:v17+s16+$0x0], $0xffff  }
0xce: {  	v32 =	vld.idx.msk [tilespmem:v32+s16+$0x0], $0xffff;
	v29 =	vadd.f32 v53, v29;
	v55 =	vmul.f32 v56, v55;
	v28 =	vadd.f32 v52, v28  }
0xcf: {  	v19 =	vadd.f32 v60, v19;
	v54 =	vadd.f32 v50, v31;
	v18 =	vmul.f32 v18, v59  }
0xd0: {  	v30 =	vmul.f32 v34, v30;
	v58 =	vadd.f32 v51, v29;
	v57 =	vadd.f32 v55, v28  }
0xd1: {  	v59 =	vmul.f32 v37, v35;
	v56 =	vmul.f32 v62, v61;
	v18 =	vadd.f32 v18, v54  }
0xd2: {  	v19 =	vadd.f32 v21, v19;
	v17 =	vmul.f32 v17, v47;
	v61 =	vadd.f32 v63, v58  }
0xd3: {  	v62 =	vmul.f32 v32, v24;
	v60 =	vadd.f32 v59, v57;
	v18 =	vadd.f32 v56, v18  }
0xd4: {  	v19 =	vadd.f32 v20, v19;
	v63 =	vadd.f32 v30, v61  }
0xd5: {  	s29 =	sadd.s32 $0x1, s29;
	v17 =	vadd.f32 v17, v18;
	v18 =	vadd.f32 v62, v60  }
0xd6: {  	p0 =	sne.s32 s29, $0x8  }
.Ltmp3:
0xd7: {  	v17 =	vadd.f32 v17, v19;
	v18 =	vadd.f32 v63, v18;
	(pc) =	sbr.rel @p0 .LBB2_6-.Ltmp3, $3  }
0xd8: {  	_ = 	snop  }
0xd9: {  	v17 =	vadd.f32 v18, v17;
	_ =	sdelay $0x1  }
0xda: {  	[tilespmem:s30+$0x10480] =	vst v17  }
0xdb: {  	[tilespmem:s14], [sflag:$0x3] =	stream.indirect.gather [hbm4b:s1+s11], $0x80, s23, s11, $0xb8;
	[tilespmem:$0x10600] =	vst v63  }
0xdc: {  	_ = 	snop  }
0xdd: {  	[tilespmem:s16], [sflag:$0x4] =	stream.indirect.gather [hbm4b:s2+s11], $0x80, s24, s11, $0xb8;
	[tilespmem:$0x10600] =	vst v63  }
0xde: {  	_ =	swait.ge [sflag:s17], $0x4000  }
0xdf: {  	[sflag:s17] =	ssyncset.done $0x0  }
0xe0: {  	[sflag:s17] =	ssyncadd.s32 $0xFFFFC000  }
0xe1: {  	_ =	swait.ge [sflag:s18], $0x4000  }
0xe2: {  	[sflag:s18] =	ssyncset.done $0x0  }
0xe3: {  	s28 =	simm.s32 $0x0;
	s29 =	simm.s32 $0x0;
	[sflag:s18] =	ssyncadd.s32 $0xFFFFC000  }
.LBB2_10:
0xe4: {  	s30 =	sshll.u32 s29, $0x4  }
0xe5: {  	v17 =	vmov s30  }
0xe6: {  	v25 =	vadd.s32 s28, v16;
	v17 =	vshll.u32 v17, $0x7  }
0xe7: {  	v25 =	vand.u32 $0x7F, v25;
	v17 =	vor.u32 v1, v17  }
0xe8: {  	v26 =	vadd.s32 s28, v12;
	v28 =	vor.u32 v17, v25  }
0xe9: {  	v26 =	vand.u32 $0x7F, v26  }
0xea: {  	v19 =	vadd.s32 s28, v13;
	v31 =	vor.u32 v17, v26  }
0xeb: {  	v21 =	vadd.s32 s28, v9;
	v19 =	vand.u32 $0x7F, v19;
	v18 =	vor.u32 v0, v17  }
0xec: {  	v22 =	vor.u32 v17, v19;
	v19 =	vand.u32 $0x7F, v21;
	v20 =	vor.u32 s28, v18  }
0xed: {  	v23 =	vor.u32 v17, v19;
	v30 =	vld.idx.msk [tilespmem:v28+s12+$0x0], $0xffff  }
0xee: {  	v34 =	vld.idx.msk [tilespmem:v28+s13+$0x0], $0xffff  }
0xef: {  	v21 =	vadd.s32 s28, v5;
	v36 =	vld.idx.msk [tilespmem:v31+s12+$0x0], $0xffff  }
0xf0: {  	v21 =	vand.u32 $0x7F, v21;
	v39 =	vld.idx.msk [tilespmem:v31+s13+$0x0], $0xffff  }
0xf1: {  	v24 =	vor.u32 v17, v21;
	v19 =	vld.idx.msk [tilespmem:v20+s12+$0x0], $0xffff  }
0xf2: {  	v29 =	vadd.s32 s28, v8;
	v25 =	vld.idx.msk [tilespmem:v23+s12+$0x0], $0xffff  }
0xf3: {  	v27 =	vld.idx.msk [tilespmem:v23+s13+$0x0], $0xffff;
	v23 =	vand.u32 $0x7F, v29  }
0xf4: {  	v28 =	vadd.s32 s28, v11;
	v21 =	vld.idx.msk [tilespmem:v20+s13+$0x0], $0xffff;
	v23 =	vor.u32 v17, v23  }
0xf5: {  	v20 =	vld.idx.msk [tilespmem:v22+s12+$0x0], $0xffff;
	v28 =	vand.u32 $0x7F, v28  }
0xf6: {  	v29 =	vadd.s32 s28, v4;
	v26 =	vld.idx.msk [tilespmem:v24+s12+$0x0], $0xffff;
	v28 =	vor.u32 v17, v28  }
0xf7: {  	v33 =	vld.idx.msk [tilespmem:v24+s13+$0x0], $0xffff;
	v24 =	vand.u32 $0x7F, v29;
	v29 =	vadd.s32 s28, v15  }
0xf8: {  	v22 =	vld.idx.msk [tilespmem:v22+s13+$0x0], $0xffff;
	v24 =	vor.u32 v17, v24;
	v29 =	vand.u32 $0x7F, v29  }
0xf9: {  	v32 =	vor.u32 v17, v29;
	v29 =	vadd.s32 s28, v7;
	v38 =	vld.idx.msk [tilespmem:v23+s12+$0x0], $0xffff  }
0xfa: {  	v35 =	vadd.s32 s28, v2;
	v31 =	vadd.s32 s28, v3;
	v29 =	vand.u32 $0x7F, v29;
	v41 =	vld.idx.msk [tilespmem:v23+s13+$0x0], $0xffff  }
0xfb: {  	v45 =	vor.u32 v17, v29;
	v29 =	vand.u32 $0x7F, v31;
	v31 =	vand.u32 $0x7F, v35;
	v35 =	vld.idx.msk [tilespmem:v28+s12+$0x0], $0xffff  }
0xfc: {  	v37 =	vld.idx.msk [tilespmem:v28+s13+$0x0], $0xffff  }
0xfd: {  	v44 =	vor.u32 v17, v29;
	v40 =	vld.idx.msk [tilespmem:v24+s12+$0x0], $0xffff  }
0xfe: {  	v46 =	vadd.s32 s28, v6;
	v23 =	vimm.f32 $0.0e+00;
	v43 =	vor.u32 v17, v31;
	v42 =	vld.idx.msk [tilespmem:v24+s13+$0x0], $0xffff  }
0xff: {  	s0 =	simm.s32 $0x10;
	s31 =	simm.s32 $0x0;
	v31 =	vimm.f32 $0.0e+00;
	v28 =	vimm.f32 $0.0e+00;
	v29 =	vimm.f32 $0.0e+00;
	v24 =	vld.idx.msk [tilespmem:v32+s12+$0x0], $0xffff  }
.LBB2_11:
0x100: {  	p0 =	sne.s32 s0, $0x70;
	v46 =	vand.u32 $0x7F, v46;
	v47 =	vld.idx.msk [tilespmem:v45+s12+$0x0], $0xffff  }
0x101: {  	v48 =	vadd.s32 s31, v10;
	v46 =	vor.u32 v17, v46;
	v45 =	vld.idx.msk [tilespmem:v45+s13+$0x0], $0xffff  }
0x102: {  	v49 =	vadd.s32 s0, v9;
	v50 =	vadd.s32 s0, v13;
	v48 =	vand.u32 $0x7F, v48;
	v51 =	vld.idx.msk [tilespmem:v44+s12+$0x0], $0xffff  }
0x103: {  	v52 =	vor.u32 s0, v18;
	v53 =	vadd.s32 s31, v14;
	s31 =	smov.u32 s0;
	v48 =	vor.u32 v17, v48;
	v44 =	vld.idx.msk [tilespmem:v44+s13+$0x0], $0xffff  }
0x104: {  	v54 =	vadd.s32 s0, v5;
	v50 =	vand.u32 $0x7F, v50;
	v53 =	vand.u32 $0x7F, v53;
	v55 =	vld.idx.msk [tilespmem:v43+s12+$0x0], $0xffff  }
0x105: {  	v54 =	vand.u32 $0x7F, v54;
	v49 =	vand.u32 $0x7F, v49;
	v53 =	vor.u32 v17, v53;
	v43 =	vld.idx.msk [tilespmem:v43+s13+$0x0], $0xffff  }
0x106: {  	v21 =	vmul.f32 v21, v19;
	v49 =	vor.u32 v17, v49;
	v50 =	vor.u32 v17, v50;
	v56 =	vld.idx.msk [tilespmem:v46+s12+$0x0], $0xffff  }
0x107: {  	v27 =	vmul.f32 v27, v25;
	v57 =	vmul.f32 v22, v20;
	v54 =	vor.u32 v17, v54;
	v46 =	vld.idx.msk [tilespmem:v46+s13+$0x0], $0xffff  }
0x108: {  	v19 =	vadd.s32 s0, v12;
	v20 =	vadd.s32 s0, v16;
	v22 =	vmul.f32 v33, v26;
	v25 =	vld.idx.msk [tilespmem:v48+s12+$0x0], $0xffff  }
0x109: {  	v58 =	vadd.s32 s0, v4;
	v33 =	vadd.s32 s0, v8;
	v20 =	vand.u32 $0x7F, v20;
	v26 =	vld.idx.msk [tilespmem:v48+s13+$0x0], $0xffff  }
0x10a: {  	v36 =	vmul.f32 v39, v36;
	v30 =	vmul.f32 v34, v30;
	v19 =	vand.u32 $0x7F, v19;
	v39 =	vld.idx.msk [tilespmem:v53+s12+$0x0], $0xffff  }
0x10b: {  	v38 =	vmul.f32 v41, v38;
	v34 =	vor.u32 v17, v20;
	v20 =	vmul.f32 v43, v55;
	v41 =	vld.idx.msk [tilespmem:v53+s13+$0x0], $0xffff  }
0x10c: {  	v40 =	vmul.f32 v42, v40;
	v44 =	vmul.f32 v44, v51;
	v43 =	vor.u32 v17, v19;
	v32 =	vld.idx.msk [tilespmem:v32+s13+$0x0], $0xffff  }
0x10d: {  	v23 =	vadd.f32 v21, v23;
	v31 =	vadd.f32 v20, v31;
	v42 =	vmul.f32 v46, v56;
	v19 =	vld.idx.msk [tilespmem:v52+s12+$0x0], $0xffff  }
0x10e: {  	v29 =	vadd.f32 v40, v29;
	v40 =	vmul.f32 v45, v47;
	v28 =	vadd.f32 v44, v28;
	v21 =	vld.idx.msk [tilespmem:v52+s13+$0x0], $0xffff  }
0x10f: {  	v23 =	vadd.f32 v22, v23;
	v31 =	vadd.f32 v42, v31;
	v26 =	vmul.f32 v26, v25;
	v20 =	vld.idx.msk [tilespmem:v50+s12+$0x0], $0xffff  }
0x110: {  	v35 =	vmul.f32 v37, v35;
	v29 =	vadd.f32 v38, v29;
	v28 =	vadd.f32 v40, v28;
	v22 =	vld.idx.msk [tilespmem:v50+s13+$0x0], $0xffff  }
0x111: {  	v23 =	vadd.f32 v27, v23;
	v31 =	vadd.f32 v26, v31;
	v37 =	vmul.f32 v41, v39;
	v25 =	vld.idx.msk [tilespmem:v49+s12+$0x0], $0xffff  }
0x112: {  	v29 =	vadd.f32 v36, v29;
	v28 =	vadd.f32 v35, v28;
	v24 =	vmul.f32 v32, v24;
	v27 =	vld.idx.msk [tilespmem:v49+s13+$0x0], $0xffff  }
0x113: {  	v23 =	vadd.f32 v57, v23;
	v32 =	vand.u32 $0x7F, v33;
	v31 =	vadd.f32 v37, v31;
	v26 =	vld.idx.msk [tilespmem:v54+s12+$0x0], $0xffff  }
0x114: {  	v29 =	vadd.f32 v30, v29;
	v35 =	vor.u32 v17, v32;
	v28 =	vadd.f32 v24, v28;
	v33 =	vld.idx.msk [tilespmem:v54+s13+$0x0], $0xffff  }
0x115: {  	v24 =	vand.u32 $0x7F, v58;
	v30 =	vld.idx.msk [tilespmem:v34+s12+$0x0], $0xffff  }
0x116: {  	v32 =	vadd.s32 s0, v15;
	v24 =	vor.u32 v17, v24;
	v34 =	vld.idx.msk [tilespmem:v34+s13+$0x0], $0xffff  }
0x117: {  	v37 =	vadd.s32 s0, v11;
	v32 =	vand.u32 $0x7F, v32;
	v36 =	vld.idx.msk [tilespmem:v43+s12+$0x0], $0xffff  }
0x118: {  	v37 =	vand.u32 $0x7F, v37;
	v32 =	vor.u32 v17, v32;
	v39 =	vld.idx.msk [tilespmem:v43+s13+$0x0], $0xffff  }
0x119: {  	v40 =	vadd.s32 s0, v7;
	v37 =	vor.u32 v17, v37;
	v38 =	vld.idx.msk [tilespmem:v35+s12+$0x0], $0xffff  }
0x11a: {  	v42 =	vand.u32 $0x7F, v40;
	v41 =	vld.idx.msk [tilespmem:v35+s13+$0x0], $0xffff  }
.Ltmp4:
0x11b: {  	v45 =	vor.u32 v17, v42;
	v35 =	vadd.s32 s0, v3;
	v40 =	vld.idx.msk [tilespmem:v24+s12+$0x0], $0xffff;
	(pc) =	sbr.rel @p0 .LBB2_11-.Ltmp4, $4  }
0x11c: {  	v35 =	vand.u32 $0x7F, v35;
	v42 =	vld.idx.msk [tilespmem:v24+s13+$0x0], $0xffff  }
0x11d: {  	v43 =	vadd.s32 s0, v2;
	v44 =	vor.u32 v17, v35;
	v24 =	vld.idx.msk [tilespmem:v32+s12+$0x0], $0xffff  }
0x11e: {  	v43 =	vand.u32 $0x7F, v43;
	v35 =	vld.idx.msk [tilespmem:v37+s12+$0x0], $0xffff  }
0x11f: {  	v46 =	vadd.s32 s31, v6;
	v43 =	vor.u32 v17, v43;
	s0 =	sadd.s32 $0x10, s0;
	v37 =	vld.idx.msk [tilespmem:v37+s13+$0x0], $0xffff  }
0x120: {  	_ =	sdelay $0x3  }
0x121: {  	v18 =	vand.u32 $0x7F, v46;
	v55 =	vld.idx.msk [tilespmem:v45+s12+$0x0], $0xffff  }
0x122: {  	v56 =	vld.idx.msk [tilespmem:v45+s13+$0x0], $0xffff;
	v47 =	vadd.s32 s31, v10;
	v18 =	vor.u32 v17, v18  }
0x123: {  	v48 =	vld.idx.msk [tilespmem:v44+s12+$0x0], $0xffff;
	v47 =	vand.u32 $0x7F, v47  }
0x124: {  	v57 =	vld.idx.msk [tilespmem:v44+s13+$0x0], $0xffff;
	v49 =	vadd.s32 s31, v14;
	v47 =	vor.u32 v17, v47  }
0x125: {  	v50 =	vld.idx.msk [tilespmem:v43+s12+$0x0], $0xffff;
	v49 =	vand.u32 $0x7F, v49  }
0x126: {  	v58 =	vld.idx.msk [tilespmem:v43+s13+$0x0], $0xffff;
	v17 =	vor.u32 v17, v49  }
0x127: {  	v59 =	vld.idx.msk [tilespmem:v18+s12+$0x0], $0xffff  }
0x128: {  	v19 =	vmul.f32 v21, v19;
	v18 =	vld.idx.msk [tilespmem:v18+s13+$0x0], $0xffff  }
0x129: {  	v21 =	vmul.f32 v27, v25;
	v20 =	vmul.f32 v22, v20;
	v61 =	vld.idx.msk [tilespmem:v47+s12+$0x0], $0xffff  }
0x12a: {  	v60 =	vmul.f32 v33, v26;
	v63 =	vmul.f32 v39, v36;
	v62 =	vld.idx.msk [tilespmem:v47+s13+$0x0], $0xffff  }
0x12b: {  	v53 =	vmul.f32 v42, v40;
	v52 =	vmul.f32 v57, v48;
	v47 =	vld.idx.msk [tilespmem:v17+s12+$0x0], $0xffff  }
0x12c: {  	v51 =	vmul.f32 v41, v38;
	v19 =	vadd.f32 v19, v23;
	v50 =	vmul.f32 v58, v50;
	v17 =	vld.idx.msk [tilespmem:v17+s13+$0x0], $0xffff  }
0x12d: {  	v32 =	vld.idx.msk [tilespmem:v32+s13+$0x0], $0xffff;
	v29 =	vadd.f32 v53, v29;
	v55 =	vmul.f32 v56, v55;
	v28 =	vadd.f32 v52, v28  }
0x12e: {  	v19 =	vadd.f32 v60, v19;
	v54 =	vadd.f32 v50, v31;
	v18 =	vmul.f32 v18, v59  }
0x12f: {  	v30 =	vmul.f32 v34, v30;
	v58 =	vadd.f32 v51, v29;
	v57 =	vadd.f32 v55, v28  }
0x130: {  	v59 =	vmul.f32 v37, v35;
	v56 =	vmul.f32 v62, v61;
	v18 =	vadd.f32 v18, v54  }
0x131: {  	v19 =	vadd.f32 v21, v19;
	v17 =	vmul.f32 v17, v47;
	v61 =	vadd.f32 v63, v58  }
0x132: {  	v62 =	vmul.f32 v32, v24;
	v60 =	vadd.f32 v59, v57;
	v18 =	vadd.f32 v56, v18  }
0x133: {  	v19 =	vadd.f32 v20, v19;
	v63 =	vadd.f32 v30, v61  }
0x134: {  	s29 =	sadd.s32 $0x1, s29;
	v17 =	vadd.f32 v17, v18;
	v18 =	vadd.f32 v62, v60  }
0x135: {  	p0 =	sne.s32 s29, $0x8  }
.Ltmp5:
0x136: {  	v17 =	vadd.f32 v17, v19;
	v18 =	vadd.f32 v63, v18;
	(pc) =	sbr.rel @p0 .LBB2_10-.Ltmp5, $3  }
0x137: {  	_ = 	snop  }
0x138: {  	v17 =	vadd.f32 v18, v17;
	_ =	sdelay $0x1  }
0x139: {  	[tilespmem:s30+$0x10500] =	vst v17  }
0x13a: {  	_ =	swait.ge [sflag:s21], $0x4000  }
0x13b: {  	[sflag:s21] =	ssyncset.done $0x0  }
0x13c: {  	[sflag:s21] =	ssyncadd.s32 $0xFFFFC000  }
0x13d: {  	_ =	swait.ge [sflag:s22], $0x4000  }
0x13e: {  	[sflag:s22] =	ssyncset.done $0x0  }
0x13f: {  	s28 =	simm.s32 $0x0;
	s29 =	simm.s32 $0x0;
	[sflag:s22] =	ssyncadd.s32 $0xFFFFC000  }
.LBB2_14:
0x140: {  	s30 =	sshll.u32 s29, $0x4  }
0x141: {  	v17 =	vmov s30  }
0x142: {  	v25 =	vadd.s32 s28, v16;
	v17 =	vshll.u32 v17, $0x7  }
0x143: {  	v25 =	vand.u32 $0x7F, v25;
	v17 =	vor.u32 v1, v17  }
0x144: {  	v26 =	vadd.s32 s28, v12;
	v28 =	vor.u32 v17, v25  }
0x145: {  	v26 =	vand.u32 $0x7F, v26  }
0x146: {  	v19 =	vadd.s32 s28, v13;
	v31 =	vor.u32 v17, v26  }
0x147: {  	v21 =	vadd.s32 s28, v9;
	v19 =	vand.u32 $0x7F, v19;
	v18 =	vor.u32 v0, v17  }
0x148: {  	v22 =	vor.u32 v17, v19;
	v19 =	vand.u32 $0x7F, v21;
	v20 =	vor.u32 s28, v18  }
0x149: {  	v23 =	vor.u32 v17, v19;
	v30 =	vld.idx.msk [tilespmem:v28+s14+$0x0], $0xffff  }
0x14a: {  	v34 =	vld.idx.msk [tilespmem:v28+s16+$0x0], $0xffff  }
0x14b: {  	v21 =	vadd.s32 s28, v5;
	v36 =	vld.idx.msk [tilespmem:v31+s14+$0x0], $0xffff  }
0x14c: {  	v21 =	vand.u32 $0x7F, v21;
	v39 =	vld.idx.msk [tilespmem:v31+s16+$0x0], $0xffff  }
0x14d: {  	v24 =	vor.u32 v17, v21;
	v19 =	vld.idx.msk [tilespmem:v20+s14+$0x0], $0xffff  }
0x14e: {  	v29 =	vadd.s32 s28, v8;
	v25 =	vld.idx.msk [tilespmem:v23+s14+$0x0], $0xffff  }
0x14f: {  	v27 =	vld.idx.msk [tilespmem:v23+s16+$0x0], $0xffff;
	v23 =	vand.u32 $0x7F, v29  }
0x150: {  	v28 =	vadd.s32 s28, v11;
	v21 =	vld.idx.msk [tilespmem:v20+s16+$0x0], $0xffff;
	v23 =	vor.u32 v17, v23  }
0x151: {  	v20 =	vld.idx.msk [tilespmem:v22+s14+$0x0], $0xffff;
	v28 =	vand.u32 $0x7F, v28  }
0x152: {  	v29 =	vadd.s32 s28, v4;
	v26 =	vld.idx.msk [tilespmem:v24+s14+$0x0], $0xffff;
	v28 =	vor.u32 v17, v28  }
0x153: {  	v33 =	vld.idx.msk [tilespmem:v24+s16+$0x0], $0xffff;
	v24 =	vand.u32 $0x7F, v29;
	v29 =	vadd.s32 s28, v15  }
0x154: {  	v22 =	vld.idx.msk [tilespmem:v22+s16+$0x0], $0xffff;
	v24 =	vor.u32 v17, v24;
	v29 =	vand.u32 $0x7F, v29  }
0x155: {  	v32 =	vor.u32 v17, v29;
	v29 =	vadd.s32 s28, v7;
	v38 =	vld.idx.msk [tilespmem:v23+s14+$0x0], $0xffff  }
0x156: {  	v35 =	vadd.s32 s28, v2;
	v31 =	vadd.s32 s28, v3;
	v29 =	vand.u32 $0x7F, v29;
	v41 =	vld.idx.msk [tilespmem:v23+s16+$0x0], $0xffff  }
0x157: {  	v45 =	vor.u32 v17, v29;
	v29 =	vand.u32 $0x7F, v31;
	v31 =	vand.u32 $0x7F, v35;
	v35 =	vld.idx.msk [tilespmem:v28+s14+$0x0], $0xffff  }
0x158: {  	v37 =	vld.idx.msk [tilespmem:v28+s16+$0x0], $0xffff  }
0x159: {  	v44 =	vor.u32 v17, v29;
	v40 =	vld.idx.msk [tilespmem:v24+s14+$0x0], $0xffff  }
0x15a: {  	v46 =	vadd.s32 s28, v6;
	v23 =	vimm.f32 $0.0e+00;
	v43 =	vor.u32 v17, v31;
	v42 =	vld.idx.msk [tilespmem:v24+s16+$0x0], $0xffff  }
0x15b: {  	s0 =	simm.s32 $0x10;
	s31 =	simm.s32 $0x0;
	v31 =	vimm.f32 $0.0e+00;
	v28 =	vimm.f32 $0.0e+00;
	v29 =	vimm.f32 $0.0e+00;
	v24 =	vld.idx.msk [tilespmem:v32+s14+$0x0], $0xffff  }
.LBB2_15:
0x15c: {  	p0 =	sne.s32 s0, $0x70;
	v46 =	vand.u32 $0x7F, v46;
	v47 =	vld.idx.msk [tilespmem:v45+s14+$0x0], $0xffff  }
0x15d: {  	v48 =	vadd.s32 s31, v10;
	v46 =	vor.u32 v17, v46;
	v45 =	vld.idx.msk [tilespmem:v45+s16+$0x0], $0xffff  }
0x15e: {  	v49 =	vadd.s32 s0, v9;
	v50 =	vadd.s32 s0, v13;
	v48 =	vand.u32 $0x7F, v48;
	v51 =	vld.idx.msk [tilespmem:v44+s14+$0x0], $0xffff  }
0x15f: {  	v52 =	vor.u32 s0, v18;
	v53 =	vadd.s32 s31, v14;
	s31 =	smov.u32 s0;
	v48 =	vor.u32 v17, v48;
	v44 =	vld.idx.msk [tilespmem:v44+s16+$0x0], $0xffff  }
0x160: {  	v54 =	vadd.s32 s0, v5;
	v50 =	vand.u32 $0x7F, v50;
	v53 =	vand.u32 $0x7F, v53;
	v55 =	vld.idx.msk [tilespmem:v43+s14+$0x0], $0xffff  }
0x161: {  	v54 =	vand.u32 $0x7F, v54;
	v49 =	vand.u32 $0x7F, v49;
	v53 =	vor.u32 v17, v53;
	v43 =	vld.idx.msk [tilespmem:v43+s16+$0x0], $0xffff  }
0x162: {  	v21 =	vmul.f32 v21, v19;
	v49 =	vor.u32 v17, v49;
	v50 =	vor.u32 v17, v50;
	v56 =	vld.idx.msk [tilespmem:v46+s14+$0x0], $0xffff  }
0x163: {  	v27 =	vmul.f32 v27, v25;
	v57 =	vmul.f32 v22, v20;
	v54 =	vor.u32 v17, v54;
	v46 =	vld.idx.msk [tilespmem:v46+s16+$0x0], $0xffff  }
0x164: {  	v19 =	vadd.s32 s0, v12;
	v20 =	vadd.s32 s0, v16;
	v22 =	vmul.f32 v33, v26;
	v25 =	vld.idx.msk [tilespmem:v48+s14+$0x0], $0xffff  }
0x165: {  	v58 =	vadd.s32 s0, v4;
	v33 =	vadd.s32 s0, v8;
	v20 =	vand.u32 $0x7F, v20;
	v26 =	vld.idx.msk [tilespmem:v48+s16+$0x0], $0xffff  }
0x166: {  	v36 =	vmul.f32 v39, v36;
	v30 =	vmul.f32 v34, v30;
	v19 =	vand.u32 $0x7F, v19;
	v39 =	vld.idx.msk [tilespmem:v53+s14+$0x0], $0xffff  }
0x167: {  	v38 =	vmul.f32 v41, v38;
	v34 =	vor.u32 v17, v20;
	v20 =	vmul.f32 v43, v55;
	v41 =	vld.idx.msk [tilespmem:v53+s16+$0x0], $0xffff  }
0x168: {  	v40 =	vmul.f32 v42, v40;
	v44 =	vmul.f32 v44, v51;
	v43 =	vor.u32 v17, v19;
	v32 =	vld.idx.msk [tilespmem:v32+s16+$0x0], $0xffff  }
0x169: {  	v23 =	vadd.f32 v21, v23;
	v31 =	vadd.f32 v20, v31;
	v42 =	vmul.f32 v46, v56;
	v19 =	vld.idx.msk [tilespmem:v52+s14+$0x0], $0xffff  }
0x16a: {  	v29 =	vadd.f32 v40, v29;
	v40 =	vmul.f32 v45, v47;
	v28 =	vadd.f32 v44, v28;
	v21 =	vld.idx.msk [tilespmem:v52+s16+$0x0], $0xffff  }
0x16b: {  	v23 =	vadd.f32 v22, v23;
	v31 =	vadd.f32 v42, v31;
	v26 =	vmul.f32 v26, v25;
	v20 =	vld.idx.msk [tilespmem:v50+s14+$0x0], $0xffff  }
0x16c: {  	v35 =	vmul.f32 v37, v35;
	v29 =	vadd.f32 v38, v29;
	v28 =	vadd.f32 v40, v28;
	v22 =	vld.idx.msk [tilespmem:v50+s16+$0x0], $0xffff  }
0x16d: {  	v23 =	vadd.f32 v27, v23;
	v31 =	vadd.f32 v26, v31;
	v37 =	vmul.f32 v41, v39;
	v25 =	vld.idx.msk [tilespmem:v49+s14+$0x0], $0xffff  }
0x16e: {  	v29 =	vadd.f32 v36, v29;
	v28 =	vadd.f32 v35, v28;
	v24 =	vmul.f32 v32, v24;
	v27 =	vld.idx.msk [tilespmem:v49+s16+$0x0], $0xffff  }
0x16f: {  	v23 =	vadd.f32 v57, v23;
	v32 =	vand.u32 $0x7F, v33;
	v31 =	vadd.f32 v37, v31;
	v26 =	vld.idx.msk [tilespmem:v54+s14+$0x0], $0xffff  }
0x170: {  	v29 =	vadd.f32 v30, v29;
	v35 =	vor.u32 v17, v32;
	v28 =	vadd.f32 v24, v28;
	v33 =	vld.idx.msk [tilespmem:v54+s16+$0x0], $0xffff  }
0x171: {  	v24 =	vand.u32 $0x7F, v58;
	v30 =	vld.idx.msk [tilespmem:v34+s14+$0x0], $0xffff  }
0x172: {  	v32 =	vadd.s32 s0, v15;
	v24 =	vor.u32 v17, v24;
	v34 =	vld.idx.msk [tilespmem:v34+s16+$0x0], $0xffff  }
0x173: {  	v37 =	vadd.s32 s0, v11;
	v32 =	vand.u32 $0x7F, v32;
	v36 =	vld.idx.msk [tilespmem:v43+s14+$0x0], $0xffff  }
0x174: {  	v37 =	vand.u32 $0x7F, v37;
	v32 =	vor.u32 v17, v32;
	v39 =	vld.idx.msk [tilespmem:v43+s16+$0x0], $0xffff  }
0x175: {  	v40 =	vadd.s32 s0, v7;
	v37 =	vor.u32 v17, v37;
	v38 =	vld.idx.msk [tilespmem:v35+s14+$0x0], $0xffff  }
0x176: {  	v42 =	vand.u32 $0x7F, v40;
	v41 =	vld.idx.msk [tilespmem:v35+s16+$0x0], $0xffff  }
.Ltmp6:
0x177: {  	v45 =	vor.u32 v17, v42;
	v35 =	vadd.s32 s0, v3;
	v40 =	vld.idx.msk [tilespmem:v24+s14+$0x0], $0xffff;
	(pc) =	sbr.rel @p0 .LBB2_15-.Ltmp6, $4  }
0x178: {  	v35 =	vand.u32 $0x7F, v35;
	v42 =	vld.idx.msk [tilespmem:v24+s16+$0x0], $0xffff  }
0x179: {  	v43 =	vadd.s32 s0, v2;
	v44 =	vor.u32 v17, v35;
	v24 =	vld.idx.msk [tilespmem:v32+s14+$0x0], $0xffff  }
0x17a: {  	v43 =	vand.u32 $0x7F, v43;
	v35 =	vld.idx.msk [tilespmem:v37+s14+$0x0], $0xffff  }
0x17b: {  	v46 =	vadd.s32 s31, v6;
	v43 =	vor.u32 v17, v43;
	s0 =	sadd.s32 $0x10, s0;
	v37 =	vld.idx.msk [tilespmem:v37+s16+$0x0], $0xffff  }
0x17c: {  	_ =	sdelay $0x3  }
0x17d: {  	v18 =	vand.u32 $0x7F, v46;
	v55 =	vld.idx.msk [tilespmem:v45+s14+$0x0], $0xffff  }
0x17e: {  	v56 =	vld.idx.msk [tilespmem:v45+s16+$0x0], $0xffff;
	v47 =	vadd.s32 s31, v10;
	v18 =	vor.u32 v17, v18  }
0x17f: {  	v48 =	vld.idx.msk [tilespmem:v44+s14+$0x0], $0xffff;
	v47 =	vand.u32 $0x7F, v47  }
0x180: {  	v57 =	vld.idx.msk [tilespmem:v44+s16+$0x0], $0xffff;
	v49 =	vadd.s32 s31, v14;
	v47 =	vor.u32 v17, v47  }
0x181: {  	v50 =	vld.idx.msk [tilespmem:v43+s14+$0x0], $0xffff;
	v49 =	vand.u32 $0x7F, v49  }
0x182: {  	v58 =	vld.idx.msk [tilespmem:v43+s16+$0x0], $0xffff;
	v17 =	vor.u32 v17, v49  }
0x183: {  	v59 =	vld.idx.msk [tilespmem:v18+s14+$0x0], $0xffff  }
0x184: {  	v19 =	vmul.f32 v21, v19;
	v18 =	vld.idx.msk [tilespmem:v18+s16+$0x0], $0xffff  }
0x185: {  	v21 =	vmul.f32 v27, v25;
	v20 =	vmul.f32 v22, v20;
	v61 =	vld.idx.msk [tilespmem:v47+s14+$0x0], $0xffff  }
0x186: {  	v60 =	vmul.f32 v33, v26;
	v63 =	vmul.f32 v39, v36;
	v62 =	vld.idx.msk [tilespmem:v47+s16+$0x0], $0xffff  }
0x187: {  	v53 =	vmul.f32 v42, v40;
	v52 =	vmul.f32 v57, v48;
	v47 =	vld.idx.msk [tilespmem:v17+s14+$0x0], $0xffff  }
0x188: {  	v51 =	vmul.f32 v41, v38;
	v19 =	vadd.f32 v19, v23;
	v50 =	vmul.f32 v58, v50;
	v17 =	vld.idx.msk [tilespmem:v17+s16+$0x0], $0xffff  }
0x189: {  	v32 =	vld.idx.msk [tilespmem:v32+s16+$0x0], $0xffff;
	v29 =	vadd.f32 v53, v29;
	v55 =	vmul.f32 v56, v55;
	v28 =	vadd.f32 v52, v28  }
0x18a: {  	v19 =	vadd.f32 v60, v19;
	v54 =	vadd.f32 v50, v31;
	v18 =	vmul.f32 v18, v59  }
0x18b: {  	v30 =	vmul.f32 v34, v30;
	v58 =	vadd.f32 v51, v29;
	v57 =	vadd.f32 v55, v28  }
0x18c: {  	v59 =	vmul.f32 v37, v35;
	v56 =	vmul.f32 v62, v61;
	v18 =	vadd.f32 v18, v54  }
0x18d: {  	v19 =	vadd.f32 v21, v19;
	v17 =	vmul.f32 v17, v47;
	v61 =	vadd.f32 v63, v58  }
0x18e: {  	v62 =	vmul.f32 v32, v24;
	v60 =	vadd.f32 v59, v57;
	v18 =	vadd.f32 v56, v18  }
0x18f: {  	v19 =	vadd.f32 v20, v19;
	v63 =	vadd.f32 v30, v61  }
0x190: {  	s29 =	sadd.s32 $0x1, s29;
	v17 =	vadd.f32 v17, v18;
	v18 =	vadd.f32 v62, v60  }
0x191: {  	p0 =	sne.s32 s29, $0x8  }
.Ltmp7:
0x192: {  	v17 =	vadd.f32 v17, v19;
	v18 =	vadd.f32 v63, v18;
	(pc) =	sbr.rel @p0 .LBB2_14-.Ltmp7, $3  }
0x193: {  	_ = 	snop  }
0x194: {  	v17 =	vadd.f32 v18, v17;
	_ =	sdelay $0x1  }
0x195: {  	[tilespmem:s30+$0x10580] =	vst v17  }
0x196: {  	s0 =	simm.s32 $0x0;
	s28 =	simm.s32 $0x40  }
.LBB2_18:
0x197: {  	p0 =	sne.s32 s28, $0x7C0;
	v17 =	vld [tilespmem:s0+$0x10400];
	_ =	sdelay $0x4  }
0x198: {  	v17 =	vsub.f32 $0.0e+00, v17;
	_ =	sdelay $0x1  }
0x199: {  	v17 =	vmul.f32 $1.442695020e+00, v17;
	_ =	sdelay $0x1  }
0x19a: {  	(erf) = vpow2.f32 v17;
	_ =	sdelay $0x8  }
0x19b: {  	v17 =	vpop (erf)  }
0x19c: {  	v17 =	vadd.f32 $1.000000000e+00, v17;
	_ =	sdelay $0x1  }
0x19d: {  	(erf) = vrcp.f32 v17;
	_ =	sdelay $0x5  }
.Ltmp8:
0x19e: {  	(pc) =	sbr.rel @p0 .LBB2_18-.Ltmp8, $3  }
0x19f: {  	_ =	sdelay $0x1  }
0x1a0: {  	v17 =	vpop (erf)  }
0x1a1: {  	[tilespmem:s0+$0x10400] =	vst v17;
	s0 =	sshra.s32 s28, $0x2;
	s28 =	sadd.s32 $0x40, s28  }
0x1a2: {  	v17 =	vld [tilespmem:s0+$0x10400];
	_ =	sdelay $0x4  }
0x1a3: {  	v17 =	vsub.f32 $0.0e+00, v17;
	_ =	sdelay $0x1  }
0x1a4: {  	v17 =	vmul.f32 $1.442695020e+00, v17;
	_ =	sdelay $0x1  }
0x1a5: {  	(erf) = vpow2.f32 v17;
	_ =	sdelay $0x8  }
0x1a6: {  	v17 =	vpop (erf)  }
0x1a7: {  	v17 =	vadd.f32 $1.000000000e+00, v17;
	_ =	sdelay $0x1  }
0x1a8: {  	(erf) = vrcp.f32 v17;
	_ =	sdelay $0x7  }
0x1a9: {  	s26 =	sadd.s32 $0x1, s26  }
0x1aa: {  	p0 =	sne.s32 s26, s8;
	v17 =	vpop (erf)  }
.Ltmp9:
0x1ab: {  	[tilespmem:s0+$0x10400] =	vst v17;
	(pc) =	sbr.rel @p0 .LBB2_1-.Ltmp9, $4  }
0x1ac: {  	[hbm4b:s7+s4] =	stream.linear.scatter [tilespmem:s25], [sflag:$0x5], $0x200, $0x38;
	[tilespmem:$0x10600] =	vst v63  }
0x1ad: {  	_ =	swait.ge [sflag:s9], $0x200  }
0x1ae: {  	[sflag:s9] =	ssyncset.done $0x0  }
0x1af: {  	[sflag:s9] =	ssyncadd.s32 $0xFFFFFE00  }
0x1b0: {  	_ =	sfence.sel $0x180000  }
0x1b1: {  	[bflag:$0x0] =	sbarrier.arrive $0xFFFF  }
0x1b2: {  	_ =	strace $0x90000047  }
0x1b3: {  	[bflag:$0x2] =	sbarrier.arrive $0xFFFF  }
0x1b4: {  	p0 =	sne.s32 s3, $0x0;
	s0 =	rddreg [dreg:$0x5]  }
0x1b5: {  	s0 =	sadd.s32 @!p0 $0x100000, s0  }
0x1b6: {  	[sflag:s0] =	ssyncadd.tile.s32 @!p0 $0x1;
	_ =	shalt  }
.Lfunc_end2:
_tile_overlayer_lowered:
.L_overlay_start_2:
0x1b7: {  	(tag) =	ssettag $0x2  }
0x1b8: {  	s0 =	rddreg [dreg:$0x0];
	s2 =	stileid.u32  }
0x1b9: {  	s1 =	rddreg [dreg:$0x1];
	p0 =	sne.s32 s2, $0x0  }
0x1ba: {  	s3 =	rddreg [dreg:$0x2];
	[bflag:$0x3] =	sbarrier.arrive $0xFFFF;
	s2 =	simm.s32 @!p0 $0x1C05  }
0x1bb: {  	[timem:s3], [sflag:s2] =	dma.local @!p0 [hbm:s0], s1  }
0x1bc: {  	s0 =	simm.s32 @!p0 $0x5  }
0x1bd: {  	_ =	swait.ge @!p0 [sflag:s0], s1  }
0x1be: {  	s1 =	ssub.s32 @!p0 $0x0, s1;
	[sflag:s0] =	ssyncset.done @!p0 $0x0  }
0x1bf: {  	[sflag:s0] =	ssyncadd.s32 @!p0 s1  }
0x1c0: {  	[bflag:$0x3] =	sbarrier.arrive $0xFFFF  }
0x1c1: {  	_ =	shalt  }

</sc_bundles>
